<compile_context>
chip_gen: v7x
topology: tpu7x:2x2x1
jax: 0.10.2.dev20260603
libtpu: 0.0.44.dev20260713+nightly
codegen_flags: <defaults>
</compile_context>

<pallas_src>
import functools

import jax
import jax.numpy as jnp
from jax import lax
from jax.experimental import pallas as pl
from jax.experimental.pallas import tpu as pltpu
from jax.experimental.pallas import tpu_sc as plsc

_DIM = (192, 192, 192)
_C = 4
_FLAT = _DIM[0] * _DIM[1] * _DIM[2]
_NW = 32
_NSLAB = 16
_SLAB = _FLAT // _NSLAB
_CH = 2048
_S = 2048
_SB = _S + 16
_FILL = 16384
_DUMP = _FLAT + 1

_mesh = plsc.VectorSubcoreMesh(core_axis_name="c", subcore_axis_name="s")


def _worker_id():
    return lax.axis_index("s") * 2 + lax.axis_index("c")


def _settle(stg_idx, stg_rid, wback, w_hbm):
    dump16 = jnp.full((16,), _DUMP, jnp.int32)
    for _ in range(2):
        pltpu.sync_copy(w_hbm.at[stg_idx], wback)

        def fix(g, _):
            p = g * 16
            v = stg_idx[pl.ds(p, 16)]
            r = stg_rid[pl.ds(p, 16)]
            wb = wback[pl.ds(p, 16)]
            stg_idx[pl.ds(p, 16)] = jnp.where(wb < r, v, dump16)
            return _

        lax.fori_loop(0, _SB // 16, fix, jnp.int32(0))
        pltpu.sync_copy(stg_rid, w_hbm.at[stg_idx])


def _scan_array(flat_hbm, w_hbm, lo, nchunk, vchunk, stg_idx, stg_rid, wback):
    iota = lax.iota(jnp.int32, 16)
    dump16 = jnp.full((16,), _DUMP, jnp.int32)

    def chunk_body(c, off):
        pltpu.sync_copy(flat_hbm.at[pl.ds(c * _CH, _CH)], vchunk)

        def grp(j, off):
            v = vchunk[pl.ds(j * 16, 16)]
            rid = (c * _CH + j * 16) + iota
            m = (v - lo).astype(jnp.uint32) < jnp.uint32(_SLAB)
            cnt = jnp.max(plsc.all_reduce_population_count(m))
            plsc.store_compressed(stg_idx.at[pl.ds(off, 16)], v, mask=m)
            plsc.store_compressed(stg_rid.at[pl.ds(off, 16)], rid, mask=m)
            off = off + cnt

            @pl.when(off >= _S)
            def _flush():
                tail_pos = _S + iota
                plsc.store_scatter(stg_idx, [tail_pos], dump16, mask=tail_pos >= off)
                pltpu.sync_copy(stg_rid, w_hbm.at[stg_idx])
                stg_idx[pl.ds(0, 16)] = stg_idx[pl.ds(_S, 16)]
                stg_rid[pl.ds(0, 16)] = stg_rid[pl.ds(_S, 16)]
                _settle(stg_idx, stg_rid, wback, w_hbm)

            return jnp.where(off >= _S, off - _S, off)

        return lax.fori_loop(0, _CH // 16, grp, off)

    off = lax.fori_loop(0, nchunk, chunk_body, jnp.int32(0))

    def pad_body(p):
        stg_idx[pl.ds(jnp.minimum(p, _S), 16)] = dump16
        return p + 16

    lax.while_loop(lambda p: p < _SB, pad_body, off)
    pltpu.sync_copy(stg_rid, w_hbm.at[stg_idx])
    _settle(stg_idx, stg_rid, wback, w_hbm)


def _winner_kernel(nchunk):
    @functools.partial(
        pl.kernel,
        out_type=[
            jax.ShapeDtypeStruct((_FLAT + 8,), jnp.int32),
            jax.ShapeDtypeStruct((_FLAT + 8,), jnp.int32),
        ],
        mesh=_mesh,
        compiler_params=pltpu.CompilerParams(needs_layout_passes=False),
        scratch_types=[
            pltpu.VMEM((_CH,), jnp.int32),
            pltpu.VMEM((_SB,), jnp.int32),
            pltpu.VMEM((_SB,), jnp.int32),
            pltpu.VMEM((_FILL,), jnp.int32),
            pltpu.VMEM((_SB,), jnp.int32),
        ],
    )
    def kern(cur_flat, glb_flat, fill_src, w_cur, w_glb,
             vchunk, stg_idx, stg_rid, fillbuf, wback):
        wid = _worker_id()

        @pl.when(wid < _NSLAB)
        def _cur_side():
            _scan_array(cur_flat, w_cur, wid * _SLAB, nchunk,
                        vchunk, stg_idx, stg_rid, wback)

            @pl.when(wid == _NSLAB - 1)
            def _sentinel():
                pltpu.sync_copy(fill_src.at[pl.ds(0, 8)], fillbuf.at[pl.ds(0, 8)])
                pltpu.sync_copy(fillbuf.at[pl.ds(0, 8)], w_cur.at[pl.ds(_FLAT, 8)])

        @pl.when(wid >= _NSLAB)
        def _glb_side():
            sid = wid - _NSLAB
            lo = sid * _SLAB
            pltpu.sync_copy(fill_src, fillbuf)

            def fill_body(k, _):
                pltpu.sync_copy(fillbuf, w_glb.at[pl.ds(lo + k * _FILL, _FILL)])
                return _

            lax.fori_loop(0, _SLAB // _FILL, fill_body, jnp.int32(0))

            @pl.when(sid == _NSLAB - 1)
            def _sentinel():
                pltpu.sync_copy(fillbuf.at[pl.ds(0, 8)], w_glb.at[pl.ds(_FLAT, 8)])

            _scan_array(glb_flat, w_glb, lo, nchunk,
                        vchunk, stg_idx, stg_rid, wback)

    return kern


def _gather_kernel(nchunk):
    n_pad = nchunk * _CH

    @functools.partial(
        pl.kernel,
        out_type=[
            jax.ShapeDtypeStruct((n_pad * _C,), jnp.float32),
            jax.ShapeDtypeStruct((n_pad * _C,), jnp.float32),
        ],
        mesh=_mesh,
        compiler_params=pltpu.CompilerParams(needs_layout_passes=False),
        scratch_types=[
            pltpu.VMEM((_CH,), jnp.int32),
            pltpu.VMEM((_CH,), jnp.int32),
            pltpu.VMEM((_CH,), jnp.int32),
            pltpu.VMEM((_CH * _C,), jnp.int32),
            pltpu.VMEM((_CH * _C,), jnp.int32),
            pltpu.VMEM((_CH * _C,), jnp.float32),
            pltpu.VMEM((_CH * _C,), jnp.float32),
            pltpu.SemaphoreType.DMA,
            pltpu.SemaphoreType.DMA,
        ],
    )
    def kern(cur_flat, w_cur, w_glb, cur_vals, glb_vals, out_c, out_g,
             vflat, vrc, vrg, eic, eig, vc, vg, sem1, sem2):
        wid = _worker_id()
        rounds = (nchunk + _NW - 1) // _NW
        iota = lax.iota(jnp.int32, 16)

        def body(k, _):
            c = wid + _NW * k

            @pl.when(c < nchunk)
            def _do():
                base = c * _CH
                pltpu.sync_copy(cur_flat.at[pl.ds(base, _CH)], vflat)
                h1 = pltpu.async_copy(w_cur.at[vflat], vrc, sem1)
                h2 = pltpu.async_copy(w_glb.at[vflat], vrg, sem2)
                h1.wait()
                h2.wait()

                def mk(j, _):
                    pos = j * 16 + iota
                    rc = plsc.load_gather(vrc, [pos]) * _C
                    rg = plsc.load_gather(vrg, [pos]) * _C
                    for ch in range(_C):
                        plsc.store_scatter(eic, [pos * _C + ch], rc + ch)
                        plsc.store_scatter(eig, [pos * _C + ch], rg + ch)
                    return _

                lax.fori_loop(0, _CH // 16, mk, jnp.int32(0))
                h3 = pltpu.async_copy(cur_vals.at[eic], vc, sem1)
                h4 = pltpu.async_copy(glb_vals.at[eig], vg, sem2)
                h3.wait()
                h4.wait()
                pltpu.sync_copy(vc, out_c.at[pl.ds(base * _C, _CH * _C)])
                pltpu.sync_copy(vg, out_g.at[pl.ds(base * _C, _CH * _C)])

            return _

        lax.fori_loop(0, rounds, body, jnp.int32(0))

    return kern


def kernel(current_coords, current_values, global_coords, global_values, relative_origin):
    n_cur = current_coords.shape[0]
    n_glb = global_coords.shape[0]
    dim = jnp.array(_DIM, dtype=jnp.int32)

    cur_flat = (current_coords[:, 0] * _DIM[1] + current_coords[:, 1]) * _DIM[2] \
        + current_coords[:, 2]
    gc = global_coords - relative_origin[None, :]
    bounds_ok = jnp.all((gc < dim[None, :]) & (gc >= 0), axis=-1)
    gc_cl = jnp.clip(gc, 0, dim[None, :] - 1)
    g_flat = jnp.where(
        bounds_ok,
        (gc_cl[:, 0] * _DIM[1] + gc_cl[:, 1]) * _DIM[2] + gc_cl[:, 2],
        _FLAT,
    )

    nchunk = -(-max(n_cur, n_glb) // _CH)
    n_pad = nchunk * _CH
    cur_flat_p = jnp.full((n_pad,), _FLAT, jnp.int32).at[:n_cur].set(cur_flat)
    g_flat_p = jnp.full((n_pad,), _FLAT, jnp.int32).at[:n_glb].set(g_flat)

    cur_ext = jnp.concatenate(
        [current_values, jnp.ones((8, _C), jnp.float32)], axis=0).reshape(-1)
    glb_ext = jnp.concatenate(
        [global_values, jnp.ones((8, _C), jnp.float32)], axis=0).reshape(-1)
    fill_src = jnp.full((_FILL,), n_glb, jnp.int32)

    w_cur, w_glb = _winner_kernel(nchunk)(cur_flat_p, g_flat_p, fill_src)
    out_c, out_g = _gather_kernel(nchunk)(
        cur_flat_p, w_cur, w_glb, cur_ext, glb_ext)

    out_c = out_c.reshape(n_pad, _C)[:n_cur]
    out_g = out_g.reshape(n_pad, _C)[:n_cur]
    return jnp.concatenate([out_c, out_g], axis=-1)

# --- scband reference (transcript-rebuilt; emitter-appended) ---
"""Pipeline reference for scband-grufusion-1958505087030 (READ-ONLY COPY).

The authoritative reference and input builder live on the scoring server;
editing this copy changes nothing except your own understanding.
"""

import jax, jax.numpy as jnp
import numpy as np

DIM = (192, 192, 192)
C = 4
FLAT = DIM[0] * DIM[1] * DIM[2]
FEAT_INIT = 1.0  # direct_substitute=True -> feat_init = 1 (TSDF init)
N_CUR = 500000
N_GLB = 500000


def _flatten_coords(coords):
    # coords: (N, 3) int32 -> flat linear index into DIM_X*DIM_Y*DIM_Z
    return (coords[:, 0] * DIM[1] + coords[:, 1]) * DIM[2] + coords[:, 2]


def setup_inputs(seed: int = 0) -> dict:
    key = jax.random.key(seed)
    k1, k2, k3, k4 = jax.random.split(key, 4)
    current_coords = jax.random.randint(k1, (N_CUR, 3), 0, DIM[0], dtype=jnp.int32)
    current_values = jax.random.normal(k2, (N_CUR, C), dtype=jnp.float32)
    global_coords = jax.random.randint(k3, (N_GLB, 3), 0, DIM[0], dtype=jnp.int32)
    global_values = jax.random.normal(k4, (N_GLB, C), dtype=jnp.float32)
    relative_origin = jnp.zeros((3,), dtype=jnp.int32)
    return {
        'current_coords': current_coords,
        'current_values': current_values,
        'global_coords': global_coords,
        'global_values': global_values,
        'relative_origin': relative_origin,
    }


def reference(current_coords, current_values, global_coords, global_values, relative_origin):
    # Faithful JAX translation of GRUFusion.convert2dense (direct_substitute path,
    # FUSION.FULL=False) followed by the gather that feeds the fusion/substitution.
    dim = jnp.array(DIM, dtype=jnp.int32)

    # shift global coords into current fragment-bounding-volume frame
    gc = global_coords - relative_origin[None, :]
    valid = jnp.all((gc < dim[None, :]) & (gc >= 0), axis=-1)

    cur_flat = _flatten_coords(current_coords)

    # FUSION.FULL is False: build occupancy volume of current coords (sparse_to_dense_torch with value 1)
    valid_volume = jnp.zeros((FLAT,), dtype=jnp.int32).at[cur_flat].set(1)
    gc_clamped = jnp.clip(gc, 0, dim[None, :] - 1)
    g_flat = _flatten_coords(gc_clamped)
    occ = jnp.take(valid_volume, g_flat, axis=0)
    valid = valid & (occ != 0)

    # sparse_to_dense_channel: scatter-overwrite global hidden state into dense volume
    g_scatter_idx = jnp.where(valid, g_flat, FLAT)  # invalid rows -> OOB, dropped
    global_volume = jnp.full((FLAT, C), FEAT_INIT, dtype=jnp.float32).at[g_scatter_idx].set(global_values, mode='drop')

    # sparse_to_dense_channel: scatter-overwrite current features into dense volume
    current_volume = jnp.full((FLAT, C), FEAT_INIT, dtype=jnp.float32).at[cur_flat].set(current_values)

    # updated_coords = current_coords (FULL=False branch); gather both volumes at updated coords
    fused_current = jnp.take(current_volume, cur_flat, axis=0)
    fused_global = jnp.take(global_volume, cur_flat, axis=0)

    # direct substitution: the fused value written back into the global map is the
    # current volume gathered at updated_coords; we also return the gathered global
    # hidden state (what ConvGRU would consume as h) concatenated on channels.
    out = jnp.concatenate([fused_current, fused_global], axis=-1)
    return out

if __name__ == "__main__":
    import jax
    _d = setup_inputs()
    print(jax.jit(kernel)(*tuple(_d.values())))

</pallas_src>

<mosaic_0001>
#map = affine_map<(d0, d1) -> (0)>
module attributes {stable_mosaic.version = 14 : i64} {
  func.func @kern(%arg0: i32, %arg1: i32, %arg2: memref<501760xi32, #tpu.memory_space<hbm>>, %arg3: memref<501760xi32, #tpu.memory_space<hbm>>, %arg4: memref<16384xi32, #tpu.memory_space<hbm>>, %arg5: memref<7077896xi32, #tpu.memory_space<hbm>>, %arg6: memref<7077896xi32, #tpu.memory_space<hbm>>, %arg7: memref<2048xi32, #tpu.memory_space<vmem>>, %arg8: memref<2064xi32, #tpu.memory_space<vmem>>, %arg9: memref<2064xi32, #tpu.memory_space<vmem>>, %arg10: memref<16384xi32, #tpu.memory_space<vmem>>, %arg11: memref<2064xi32, #tpu.memory_space<vmem>>) attributes {dimension_semantics = [#tpu.dimension_semantics<core_parallel>, #tpu.dimension_semantics<subcore_parallel>], iteration_bounds = array<i64: 2, 16>, scalar_prefetch = 0 : i64, scratch_operands = 5 : i64, tpu.core_type = #tpu.core_type<sc_vector_subcore>, window_params = [{transform_indices = #map}, {transform_indices = #map}, {transform_indices = #map}, {transform_indices = #map}, {transform_indices = #map}]} {
    %mul3A = arith.constant 2 : i32
    %mul3A_0 = arith.muli %arg1, %mul3A : i32
    %add3A = arith.addi %mul3A_0, %arg0 : i32
    %lt3A = arith.constant 16 : i32
    %lt3A_1 = arith.cmpi slt, %add3A, %lt3A : i32
    %convert_element_type3A = arith.extui %lt3A_1 : i1 to i32
    %cond3A = arith.constant 0 : i32
    %cond3A_2 = arith.cmpi ne, %convert_element_type3A, %cond3A : i32
    scf.if %cond3A_2 {
      %mul3A_7 = arith.constant 442368 : i32
      %mul3A_8 = arith.muli %add3A, %mul3A_7 : i32
      %iota3A = tpu.iota {dimensions = array<i32: 0>} : vector<16xi32>
      %broadcast_in_dim3A = arith.constant 7077889 : i32
      %broadcast_in_dim3A_9 = vector.broadcast %broadcast_in_dim3A : i32 to vector<16xi32>
      %scan3A = arith.constant 0 : i32
      %scan3A_10 = arith.constant 0 : i32
      %scan3A_11 = arith.constant 245 : i32
      %scan3A_12 = arith.addi %scan3A_10, %scan3A_11 : i32
      %scan3A_13 = arith.constant 1 : i32
      %scan3A_14 = scf.for %scan3A_34 = %scan3A_10 to %scan3A_12 step %scan3A_13 iter_args(%scan3A_35 = %scan3A) -> (i32)  : i32 {
        %mul3A_36 = arith.constant 2048 : i32
        %mul3A_37 = arith.muli %scan3A_34, %mul3A_36 : i32
        "tpu.region"() ({
          %run_scoped3A = tpu.sem_alloc : memref<!tpu.dma_semaphore, #tpu.memory_space<semaphore_mem>>
          %dma_start3A = tpu.memref_slice %arg2[%mul3A_37] : memref<501760xi32, #tpu.memory_space<hbm>> -> memref<2048xi32, #tpu.memory_space<hbm>>
          %dma_start3A_44 = tpu.memref_slice %arg2[%mul3A_37] : memref<501760xi32, #tpu.memory_space<hbm>> -> memref<2048xi32, #tpu.memory_space<hbm>>
          tpu.enqueue_dma source(%dma_start3A_44 : memref<2048xi32, #tpu.memory_space<hbm>>) target(%arg7 : memref<2048xi32, #tpu.memory_space<vmem>>) target_semaphore(%run_scoped3A : memref<!tpu.dma_semaphore, #tpu.memory_space<semaphore_mem>>)
          %dma_wait3A = tpu.memref_slice %arg2[%mul3A_37] : memref<501760xi32, #tpu.memory_space<hbm>> -> memref<2048xi32, #tpu.memory_space<hbm>>
          %dma_wait3A_45 = tpu.memref_slice %arg2[%mul3A_37] : memref<501760xi32, #tpu.memory_space<hbm>> -> memref<2048xi32, #tpu.memory_space<hbm>>
          tpu.wait_dma2 semaphore(%run_scoped3A : memref<!tpu.dma_semaphore, #tpu.memory_space<semaphore_mem>>) src(%dma_wait3A_45 : memref<2048xi32, #tpu.memory_space<hbm>>) dst(%arg7 : memref<2048xi32, #tpu.memory_space<vmem>>)
          tpu.yield
        }) : () -> ()
        %scan3A_38 = arith.constant 0 : i32
        %scan3A_39 = arith.constant 128 : i32
        %scan3A_40 = arith.addi %scan3A_38, %scan3A_39 : i32
        %scan3A_41 = arith.constant 1 : i32
        %scan3A_42 = scf.for %scan3A_44 = %scan3A_38 to %scan3A_40 step %scan3A_41 iter_args(%scan3A_45 = %scan3A_35) -> (i32)  : i32 {
          %mul3A_46 = arith.constant 16 : i32
          %mul3A_47 = arith.muli %scan3A_44, %mul3A_46 : i32
          %get3A = arith.index_cast %mul3A_47 : i32 to index
          %get3A_48 = tpu.vector_load %arg7[%get3A] {strides = array<i32>} : memref<2048xi32, #tpu.memory_space<vmem>>, vector<16xi32>,
          %mul3A_49 = arith.constant 2048 : i32
          %mul3A_50 = arith.muli %scan3A_34, %mul3A_49 : i32
          %mul3A_51 = arith.constant 16 : i32
          %mul3A_52 = arith.muli %scan3A_44, %mul3A_51 : i32
          %add3A_53 = arith.addi %mul3A_50, %mul3A_52 : i32
          %add3A_54 = vector.broadcast %add3A_53 : i32 to vector<16xi32>
          %add3A_55 = arith.addi %add3A_54, %iota3A : vector<16xi32>
          %sub3A = vector.broadcast %mul3A_8 : i32 to vector<16xi32>
          %sub3A_56 = arith.subi %get3A_48, %sub3A : vector<16xi32>
          %lt3A_57 = arith.constant 442368 : i32
          %lt3A_58 = vector.broadcast %lt3A_57 : i32 to vector<16xi32>
          %lt3A_59 = arith.cmpi ult, %sub3A_56, %lt3A_58 : vector<16xi32>
          %all_reduce_population_count3A = tpu.all_reduce %lt3A_59 {dim = 0 : i64, kind = #tpu.reduction_kind<sum>} : vector<16xi1> -> vector<16xi32>
          %reduce_max3A = arith.constant true
          %reduce_max3A_60 = vector.broadcast %reduce_max3A : i1 to vector<16xi1>
          %reduce_max3A_61 = arith.constant -2147483648 : i32
          %reduce_max3A_62 = vector.broadcast %reduce_max3A_61 : i32 to vector<16xi32>
          %reduce_max3A_63 = arith.xori %all_reduce_population_count3A, %reduce_max3A_62 : vector<16xi32>
          %reduce_max3A_64 = tpu.scan <max>, %reduce_max3A_63 masked %reduce_max3A_60 : vector<16xi32>, vector<16xi1> -> vector<16xi32>
          %reduce_max3A_65 = arith.xori %reduce_max3A_64, %reduce_max3A_62 : vector<16xi32>
          %reduce_max3A_66 = vector.extract %reduce_max3A_65[15] : i32 from vector<16xi32>
          %swap3A = arith.index_cast %scan3A_45 : i32 to index
          %swap3A_67 = tpu.vector_load %arg8[%swap3A] masked %lt3A_59 {strides = array<i32>} : memref<2064xi32, #tpu.memory_space<vmem>>, vector<16xi32>, vector<16xi1>
          tpu.vector_store %arg8[%swap3A], %get3A_48 masked %lt3A_59 {strides = array<i32>} : memref<2064xi32, #tpu.memory_space<vmem>>, vector<16xi32>, vector<16xi1>
          %swap3A_68 = arith.index_cast %scan3A_45 : i32 to index
          %swap3A_69 = tpu.vector_load %arg9[%swap3A_68] masked %lt3A_59 {strides = array<i32>} : memref<2064xi32, #tpu.memory_space<vmem>>, vector<16xi32>, vector<16xi1>
          tpu.vector_store %arg9[%swap3A_68], %add3A_55 masked %lt3A_59 {strides = array<i32>} : memref<2064xi32, #tpu.memory_space<vmem>>, vector<16xi32>, vector<16xi1>
          %add3A_70 = arith.addi %scan3A_45, %reduce_max3A_66 : i32
          %ge3A_71 = arith.constant 2048 : i32
          %ge3A_72 = arith.cmpi sge, %add3A_70, %ge3A_71 : i32
          %convert_element_type3A_73 = arith.extui %ge3A_72 : i1 to i32
          %cond3A_74 = arith.constant 0 : i32
          %cond3A_75 = arith.cmpi ne, %convert_element_type3A_73, %cond3A_74 : i32
          scf.if %cond3A_75 {
            %add3A_80 = arith.constant 2048 : i32
            %add3A_81 = vector.broadcast %add3A_80 : i32 to vector<16xi32>
            %add3A_82 = arith.addi %add3A_81, %iota3A : vector<16xi32>
            %ge3A_83 = vector.broadcast %add3A_70 : i32 to vector<16xi32>
            %ge3A_84 = arith.cmpi sge, %add3A_82, %ge3A_83 : vector<16xi32>
            tpu.vector_store_idx %arg8[%add3A_82], %broadcast_in_dim3A_9 masked %ge3A_84 : memref<2064xi32, #tpu.memory_space<vmem>>[vector<16xi32>], vector<16xi32>, vector<16xi1>
            "tpu.region"() ({
              %run_scoped3A = tpu.sem_alloc : memref<!tpu.dma_semaphore, #tpu.memory_space<semaphore_mem>>
              %dma_start3A = arith.constant 0 : i32
              %dma_start3A_107 = tpu.memref_slice %arg5[%dma_start3A] : memref<7077896xi32, #tpu.memory_space<hbm>> -> memref<7077896xi32, #tpu.memory_space<hbm>>
              tpu.enqueue_indirect_dma source(%arg9 : memref<2064xi32, #tpu.memory_space<vmem>>) target(%dma_start3A_107 : memref<7077896xi32, #tpu.memory_space<hbm>>) offsets(%arg8 : memref<2064xi32, #tpu.memory_space<vmem>>) semaphore(%run_scoped3A : memref<!tpu.dma_semaphore, #tpu.memory_space<semaphore_mem>>)
              %dma_wait3A = arith.constant 0 : i32
              %dma_wait3A_108 = tpu.memref_slice %arg5[%dma_wait3A] : memref<7077896xi32, #tpu.memory_space<hbm>> -> memref<7077896xi32, #tpu.memory_space<hbm>>
              tpu.wait_indirect_dma semaphore(%run_scoped3A : memref<!tpu.dma_semaphore, #tpu.memory_space<semaphore_mem>>) src(%arg9 : memref<2064xi32, #tpu.memory_space<vmem>>) dst(%dma_wait3A_108 : memref<7077896xi32, #tpu.memory_space<hbm>>)
              tpu.yield
            }) : () -> ()
            %get3A_85 = arith.constant 2048 : index
            %get3A_86 = tpu.vector_load %arg8[%get3A_85] {strides = array<i32>} : memref<2064xi32, #tpu.memory_space<vmem>>, vector<16xi32>,
            %swap3A_87 = arith.constant 0 : index
            %swap3A_88 = tpu.vector_load %arg8[%swap3A_87] {strides = array<i32>} : memref<2064xi32, #tpu.memory_space<vmem>>, vector<16xi32>,
            tpu.vector_store %arg8[%swap3A_87], %get3A_86 {strides = array<i32>} : memref<2064xi32, #tpu.memory_space<vmem>>, vector<16xi32>,
            %get3A_89 = arith.constant 2048 : index
            %get3A_90 = tpu.vector_load %arg9[%get3A_89] {strides = array<i32>} : memref<2064xi32, #tpu.memory_space<vmem>>, vector<16xi32>,
            %swap3A_91 = arith.constant 0 : index
            %swap3A_92 = tpu.vector_load %arg9[%swap3A_91] {strides = array<i32>} : memref<2064xi32, #tpu.memory_space<vmem>>, vector<16xi32>,
            tpu.vector_store %arg9[%swap3A_91], %get3A_90 {strides = array<i32>} : memref<2064xi32, #tpu.memory_space<vmem>>, vector<16xi32>,
            %broadcast_in_dim3A_93 = arith.constant 7077889 : i32
            %broadcast_in_dim3A_94 = vector.broadcast %broadcast_in_dim3A_93 : i32 to vector<16xi32>
            "tpu.region"() ({
              %run_scoped3A = tpu.sem_alloc : memref<!tpu.dma_semaphore, #tpu.memory_space<semaphore_mem>>
              %dma_start3A = arith.constant 0 : i32
              %dma_start3A_107 = tpu.memref_slice %arg5[%dma_start3A] : memref<7077896xi32, #tpu.memory_space<hbm>> -> memref<7077896xi32, #tpu.memory_space<hbm>>
              tpu.enqueue_indirect_dma source(%dma_start3A_107 : memref<7077896xi32, #tpu.memory_space<hbm>>) target(%arg11 : memref<2064xi32, #tpu.memory_space<vmem>>) offsets(%arg8 : memref<2064xi32, #tpu.memory_space<vmem>>) semaphore(%run_scoped3A : memref<!tpu.dma_semaphore, #tpu.memory_space<semaphore_mem>>)
              %dma_wait3A = arith.constant 0 : i32
              %dma_wait3A_108 = tpu.memref_slice %arg5[%dma_wait3A] : memref<7077896xi32, #tpu.memory_space<hbm>> -> memref<7077896xi32, #tpu.memory_space<hbm>>
              tpu.wait_indirect_dma semaphore(%run_scoped3A : memref<!tpu.dma_semaphore, #tpu.memory_space<semaphore_mem>>) src(%dma_wait3A_108 : memref<7077896xi32, #tpu.memory_space<hbm>>) dst(%arg11 : memref<2064xi32, #tpu.memory_space<vmem>>)
              tpu.yield
            }) : () -> ()
            %scan3A_95 = arith.constant 0 : i32
            %scan3A_96 = arith.constant 0 : i32
            %scan3A_97 = arith.constant 129 : i32
            %scan3A_98 = arith.addi %scan3A_96, %scan3A_97 : i32
            %scan3A_99 = arith.constant 1 : i32
            scf.for %scan3A_107 = %scan3A_96 to %scan3A_98 step %scan3A_99  : i32 {
              %mul3A_108 = arith.constant 16 : i32
              %mul3A_109 = arith.muli %scan3A_107, %mul3A_108 : i32
              %get3A_110 = arith.index_cast %mul3A_109 : i32 to index
              %get3A_111 = tpu.vector_load %arg8[%get3A_110] {strides = array<i32>} : memref<2064xi32, #tpu.memory_space<vmem>>, vector<16xi32>,
              %get3A_112 = arith.index_cast %mul3A_109 : i32 to index
              %get3A_113 = tpu.vector_load %arg9[%get3A_112] {strides = array<i32>} : memref<2064xi32, #tpu.memory_space<vmem>>, vector<16xi32>,
              %get3A_114 = arith.index_cast %mul3A_109 : i32 to index
              %get3A_115 = tpu.vector_load %arg11[%get3A_114] {strides = array<i32>} : memref<2064xi32, #tpu.memory_space<vmem>>, vector<16xi32>,
              %lt3A_116 = arith.cmpi slt, %get3A_115, %get3A_113 : vector<16xi32>
              %select_n3A_117 = arith.select %lt3A_116, %get3A_111, %broadcast_in_dim3A_94 : vector<16xi1>, vector<16xi32>
              %swap3A_118 = arith.index_cast %mul3A_109 : i32 to index
              %swap3A_119 = tpu.vector_load %arg8[%swap3A_118] {strides = array<i32>} : memref<2064xi32, #tpu.memory_space<vmem>>, vector<16xi32>,
              tpu.vector_store %arg8[%swap3A_118], %select_n3A_117 {strides = array<i32>} : memref<2064xi32, #tpu.memory_space<vmem>>, vector<16xi32>,
            }
            %scan3A_100 = arith.constant 129 : i32
            "tpu.region"() ({
              %run_scoped3A = tpu.sem_alloc : memref<!tpu.dma_semaphore, #tpu.memory_space<semaphore_mem>>
              %dma_start3A = arith.constant 0 : i32
              %dma_start3A_107 = tpu.memref_slice %arg5[%dma_start3A] : memref<7077896xi32, #tpu.memory_space<hbm>> -> memref<7077896xi32, #tpu.memory_space<hbm>>
              tpu.enqueue_indirect_dma source(%arg9 : memref<2064xi32, #tpu.memory_space<vmem>>) target(%dma_start3A_107 : memref<7077896xi32, #tpu.memory_space<hbm>>) offsets(%arg8 : memref<2064xi32, #tpu.memory_space<vmem>>) semaphore(%run_scoped3A : memref<!tpu.dma_semaphore, #tpu.memory_space<semaphore_mem>>)
              %dma_wait3A = arith.constant 0 : i32
              %dma_wait3A_108 = tpu.memref_slice %arg5[%dma_wait3A] : memref<7077896xi32, #tpu.memory_space<hbm>> -> memref<7077896xi32, #tpu.memory_space<hbm>>
              tpu.wait_indirect_dma semaphore(%run_scoped3A : memref<!tpu.dma_semaphore, #tpu.memory_space<semaphore_mem>>) src(%arg9 : memref<2064xi32, #tpu.memory_space<vmem>>) dst(%dma_wait3A_108 : memref<7077896xi32, #tpu.memory_space<hbm>>)
              tpu.yield
            }) : () -> ()
            "tpu.region"() ({
              %run_scoped3A = tpu.sem_alloc : memref<!tpu.dma_semaphore, #tpu.memory_space<semaphore_mem>>
              %dma_start3A = arith.constant 0 : i32
              %dma_start3A_107 = tpu.memref_slice %arg5[%dma_start3A] : memref<7077896xi32, #tpu.memory_space<hbm>> -> memref<7077896xi32, #tpu.memory_space<hbm>>
              tpu.enqueue_indirect_dma source(%dma_start3A_107 : memref<7077896xi32, #tpu.memory_space<hbm>>) target(%arg11 : memref<2064xi32, #tpu.memory_space<vmem>>) offsets(%arg8 : memref<2064xi32, #tpu.memory_space<vmem>>) semaphore(%run_scoped3A : memref<!tpu.dma_semaphore, #tpu.memory_space<semaphore_mem>>)
              %dma_wait3A = arith.constant 0 : i32
              %dma_wait3A_108 = tpu.memref_slice %arg5[%dma_wait3A] : memref<7077896xi32, #tpu.memory_space<hbm>> -> memref<7077896xi32, #tpu.memory_space<hbm>>
              tpu.wait_indirect_dma semaphore(%run_scoped3A : memref<!tpu.dma_semaphore, #tpu.memory_space<semaphore_mem>>) src(%dma_wait3A_108 : memref<7077896xi32, #tpu.memory_space<hbm>>) dst(%arg11 : memref<2064xi32, #tpu.memory_space<vmem>>)
              tpu.yield
            }) : () -> ()
            %scan3A_101 = arith.constant 0 : i32
            %scan3A_102 = arith.constant 0 : i32
            %scan3A_103 = arith.constant 129 : i32
            %scan3A_104 = arith.addi %scan3A_102, %scan3A_103 : i32
            %scan3A_105 = arith.constant 1 : i32
            scf.for %scan3A_107 = %scan3A_102 to %scan3A_104 step %scan3A_105  : i32 {
              %mul3A_108 = arith.constant 16 : i32
              %mul3A_109 = arith.muli %scan3A_107, %mul3A_108 : i32
              %get3A_110 = arith.index_cast %mul3A_109 : i32 to index
              %get3A_111 = tpu.vector_load %arg8[%get3A_110] {strides = array<i32>} : memref<2064xi32, #tpu.memory_space<vmem>>, vector<16xi32>,
              %get3A_112 = arith.index_cast %mul3A_109 : i32 to index
              %get3A_113 = tpu.vector_load %arg9[%get3A_112] {strides = array<i32>} : memref<2064xi32, #tpu.memory_space<vmem>>, vector<16xi32>,
              %get3A_114 = arith.index_cast %mul3A_109 : i32 to index
              %get3A_115 = tpu.vector_load %arg11[%get3A_114] {strides = array<i32>} : memref<2064xi32, #tpu.memory_space<vmem>>, vector<16xi32>,
              %lt3A_116 = arith.cmpi slt, %get3A_115, %get3A_113 : vector<16xi32>
              %select_n3A_117 = arith.select %lt3A_116, %get3A_111, %broadcast_in_dim3A_94 : vector<16xi1>, vector<16xi32>
              %swap3A_118 = arith.index_cast %mul3A_109 : i32 to index
              %swap3A_119 = tpu.vector_load %arg8[%swap3A_118] {strides = array<i32>} : memref<2064xi32, #tpu.memory_space<vmem>>, vector<16xi32>,
              tpu.vector_store %arg8[%swap3A_118], %select_n3A_117 {strides = array<i32>} : memref<2064xi32, #tpu.memory_space<vmem>>, vector<16xi32>,
            }
            %scan3A_106 = arith.constant 129 : i32
            "tpu.region"() ({
              %run_scoped3A = tpu.sem_alloc : memref<!tpu.dma_semaphore, #tpu.memory_space<semaphore_mem>>
              %dma_start3A = arith.constant 0 : i32
              %dma_start3A_107 = tpu.memref_slice %arg5[%dma_start3A] : memref<7077896xi32, #tpu.memory_space<hbm>> -> memref<7077896xi32, #tpu.memory_space<hbm>>
              tpu.enqueue_indirect_dma source(%arg9 : memref<2064xi32, #tpu.memory_space<vmem>>) target(%dma_start3A_107 : memref<7077896xi32, #tpu.memory_space<hbm>>) offsets(%arg8 : memref<2064xi32, #tpu.memory_space<vmem>>) semaphore(%run_scoped3A : memref<!tpu.dma_semaphore, #tpu.memory_space<semaphore_mem>>)
              %dma_wait3A = arith.constant 0 : i32
              %dma_wait3A_108 = tpu.memref_slice %arg5[%dma_wait3A] : memref<7077896xi32, #tpu.memory_space<hbm>> -> memref<7077896xi32, #tpu.memory_space<hbm>>
              tpu.wait_indirect_dma semaphore(%run_scoped3A : memref<!tpu.dma_semaphore, #tpu.memory_space<semaphore_mem>>) src(%arg9 : memref<2064xi32, #tpu.memory_space<vmem>>) dst(%dma_wait3A_108 : memref<7077896xi32, #tpu.memory_space<hbm>>)
              tpu.yield
            }) : () -> ()
          } else {
          }
          %ge3A_76 = arith.constant 2048 : i32
          %ge3A_77 = arith.cmpi sge, %add3A_70, %ge3A_76 : i32
          %sub3A_78 = arith.constant 2048 : i32
          %sub3A_79 = arith.subi %add3A_70, %sub3A_78 : i32
          %select_n3A = arith.select %ge3A_77, %sub3A_79, %add3A_70 : i32
          scf.yield %select_n3A : i32
        }
        %scan3A_43 = arith.constant 128 : i32
        scf.yield %scan3A_42 : i32
      }
      %scan3A_15 = arith.constant 245 : i32
      %while3A = scf.while (%while3A_34 = %scan3A_14) : (i32) -> i32 {
        %lt3A_35 = arith.constant 2064 : i32
        %lt3A_36 = arith.cmpi slt, %while3A_34, %lt3A_35 : i32
        scf.condition(%lt3A_36) %while3A_34 : i32
      } do {
      ^bb0(%while3A_34: i32):
        %min3A = arith.constant 2048 : i32
        %min3A_35 = arith.minsi %while3A_34, %min3A : i32
        %swap3A = arith.index_cast %min3A_35 : i32 to index
        %swap3A_36 = tpu.vector_load %arg8[%swap3A] {strides = array<i32>} : memref<2064xi32, #tpu.memory_space<vmem>>, vector<16xi32>,
        tpu.vector_store %arg8[%swap3A], %broadcast_in_dim3A_9 {strides = array<i32>} : memref<2064xi32, #tpu.memory_space<vmem>>, vector<16xi32>,
        %add3A_37 = arith.constant 16 : i32
        %add3A_38 = arith.addi %while3A_34, %add3A_37 : i32
        scf.yield %add3A_38 : i32
      }
      "tpu.region"() ({
        %run_scoped3A = tpu.sem_alloc : memref<!tpu.dma_semaphore, #tpu.memory_space<semaphore_mem>>
        %dma_start3A = arith.constant 0 : i32
        %dma_start3A_34 = tpu.memref_slice %arg5[%dma_start3A] : memref<7077896xi32, #tpu.memory_space<hbm>> -> memref<7077896xi32, #tpu.memory_space<hbm>>
        tpu.enqueue_indirect_dma source(%arg9 : memref<2064xi32, #tpu.memory_space<vmem>>) target(%dma_start3A_34 : memref<7077896xi32, #tpu.memory_space<hbm>>) offsets(%arg8 : memref<2064xi32, #tpu.memory_space<vmem>>) semaphore(%run_scoped3A : memref<!tpu.dma_semaphore, #tpu.memory_space<semaphore_mem>>)
        %dma_wait3A = arith.constant 0 : i32
        %dma_wait3A_35 = tpu.memref_slice %arg5[%dma_wait3A] : memref<7077896xi32, #tpu.memory_space<hbm>> -> memref<7077896xi32, #tpu.memory_space<hbm>>
        tpu.wait_indirect_dma semaphore(%run_scoped3A : memref<!tpu.dma_semaphore, #tpu.memory_space<semaphore_mem>>) src(%arg9 : memref<2064xi32, #tpu.memory_space<vmem>>) dst(%dma_wait3A_35 : memref<7077896xi32, #tpu.memory_space<hbm>>)
        tpu.yield
      }) : () -> ()
      %broadcast_in_dim3A_16 = arith.constant 7077889 : i32
      %broadcast_in_dim3A_17 = vector.broadcast %broadcast_in_dim3A_16 : i32 to vector<16xi32>
      "tpu.region"() ({
        %run_scoped3A = tpu.sem_alloc : memref<!tpu.dma_semaphore, #tpu.memory_space<semaphore_mem>>
        %dma_start3A = arith.constant 0 : i32
        %dma_start3A_34 = tpu.memref_slice %arg5[%dma_start3A] : memref<7077896xi32, #tpu.memory_space<hbm>> -> memref<7077896xi32, #tpu.memory_space<hbm>>
        tpu.enqueue_indirect_dma source(%dma_start3A_34 : memref<7077896xi32, #tpu.memory_space<hbm>>) target(%arg11 : memref<2064xi32, #tpu.memory_space<vmem>>) offsets(%arg8 : memref<2064xi32, #tpu.memory_space<vmem>>) semaphore(%run_scoped3A : memref<!tpu.dma_semaphore, #tpu.memory_space<semaphore_mem>>)
        %dma_wait3A = arith.constant 0 : i32
        %dma_wait3A_35 = tpu.memref_slice %arg5[%dma_wait3A] : memref<7077896xi32, #tpu.memory_space<hbm>> -> memref<7077896xi32, #tpu.memory_space<hbm>>
        tpu.wait_indirect_dma semaphore(%run_scoped3A : memref<!tpu.dma_semaphore, #tpu.memory_space<semaphore_mem>>) src(%dma_wait3A_35 : memref<7077896xi32, #tpu.memory_space<hbm>>) dst(%arg11 : memref<2064xi32, #tpu.memory_space<vmem>>)
        tpu.yield
      }) : () -> ()
      %scan3A_18 = arith.constant 0 : i32
      %scan3A_19 = arith.constant 0 : i32
      %scan3A_20 = arith.constant 129 : i32
      %scan3A_21 = arith.addi %scan3A_19, %scan3A_20 : i32
      %scan3A_22 = arith.constant 1 : i32
      scf.for %scan3A_34 = %scan3A_19 to %scan3A_21 step %scan3A_22  : i32 {
        %mul3A_35 = arith.constant 16 : i32
        %mul3A_36 = arith.muli %scan3A_34, %mul3A_35 : i32
        %get3A = arith.index_cast %mul3A_36 : i32 to index
        %get3A_37 = tpu.vector_load %arg8[%get3A] {strides = array<i32>} : memref<2064xi32, #tpu.memory_space<vmem>>, vector<16xi32>,
        %get3A_38 = arith.index_cast %mul3A_36 : i32 to index
        %get3A_39 = tpu.vector_load %arg9[%get3A_38] {strides = array<i32>} : memref<2064xi32, #tpu.memory_space<vmem>>, vector<16xi32>,
        %get3A_40 = arith.index_cast %mul3A_36 : i32 to index
        %get3A_41 = tpu.vector_load %arg11[%get3A_40] {strides = array<i32>} : memref<2064xi32, #tpu.memory_space<vmem>>, vector<16xi32>,
        %lt3A_42 = arith.cmpi slt, %get3A_41, %get3A_39 : vector<16xi32>
        %select_n3A = arith.select %lt3A_42, %get3A_37, %broadcast_in_dim3A_17 : vector<16xi1>, vector<16xi32>
        %swap3A = arith.index_cast %mul3A_36 : i32 to index
        %swap3A_43 = tpu.vector_load %arg8[%swap3A] {strides = array<i32>} : memref<2064xi32, #tpu.memory_space<vmem>>, vector<16xi32>,
        tpu.vector_store %arg8[%swap3A], %select_n3A {strides = array<i32>} : memref<2064xi32, #tpu.memory_space<vmem>>, vector<16xi32>,
      }
      %scan3A_23 = arith.constant 129 : i32
      "tpu.region"() ({
        %run_scoped3A = tpu.sem_alloc : memref<!tpu.dma_semaphore, #tpu.memory_space<semaphore_mem>>
        %dma_start3A = arith.constant 0 : i32
        %dma_start3A_34 = tpu.memref_slice %arg5[%dma_start3A] : memref<7077896xi32, #tpu.memory_space<hbm>> -> memref<7077896xi32, #tpu.memory_space<hbm>>
        tpu.enqueue_indirect_dma source(%arg9 : memref<2064xi32, #tpu.memory_space<vmem>>) target(%dma_start3A_34 : memref<7077896xi32, #tpu.memory_space<hbm>>) offsets(%arg8 : memref<2064xi32, #tpu.memory_space<vmem>>) semaphore(%run_scoped3A : memref<!tpu.dma_semaphore, #tpu.memory_space<semaphore_mem>>)
        %dma_wait3A = arith.constant 0 : i32
        %dma_wait3A_35 = tpu.memref_slice %arg5[%dma_wait3A] : memref<7077896xi32, #tpu.memory_space<hbm>> -> memref<7077896xi32, #tpu.memory_space<hbm>>
        tpu.wait_indirect_dma semaphore(%run_scoped3A : memref<!tpu.dma_semaphore, #tpu.memory_space<semaphore_mem>>) src(%arg9 : memref<2064xi32, #tpu.memory_space<vmem>>) dst(%dma_wait3A_35 : memref<7077896xi32, #tpu.memory_space<hbm>>)
        tpu.yield
      }) : () -> ()
      "tpu.region"() ({
        %run_scoped3A = tpu.sem_alloc : memref<!tpu.dma_semaphore, #tpu.memory_space<semaphore_mem>>
        %dma_start3A = arith.constant 0 : i32
        %dma_start3A_34 = tpu.memref_slice %arg5[%dma_start3A] : memref<7077896xi32, #tpu.memory_space<hbm>> -> memref<7077896xi32, #tpu.memory_space<hbm>>
        tpu.enqueue_indirect_dma source(%dma_start3A_34 : memref<7077896xi32, #tpu.memory_space<hbm>>) target(%arg11 : memref<2064xi32, #tpu.memory_space<vmem>>) offsets(%arg8 : memref<2064xi32, #tpu.memory_space<vmem>>) semaphore(%run_scoped3A : memref<!tpu.dma_semaphore, #tpu.memory_space<semaphore_mem>>)
        %dma_wait3A = arith.constant 0 : i32
        %dma_wait3A_35 = tpu.memref_slice %arg5[%dma_wait3A] : memref<7077896xi32, #tpu.memory_space<hbm>> -> memref<7077896xi32, #tpu.memory_space<hbm>>
        tpu.wait_indirect_dma semaphore(%run_scoped3A : memref<!tpu.dma_semaphore, #tpu.memory_space<semaphore_mem>>) src(%dma_wait3A_35 : memref<7077896xi32, #tpu.memory_space<hbm>>) dst(%arg11 : memref<2064xi32, #tpu.memory_space<vmem>>)
        tpu.yield
      }) : () -> ()
      %scan3A_24 = arith.constant 0 : i32
      %scan3A_25 = arith.constant 0 : i32
      %scan3A_26 = arith.constant 129 : i32
      %scan3A_27 = arith.addi %scan3A_25, %scan3A_26 : i32
      %scan3A_28 = arith.constant 1 : i32
      scf.for %scan3A_34 = %scan3A_25 to %scan3A_27 step %scan3A_28  : i32 {
        %mul3A_35 = arith.constant 16 : i32
        %mul3A_36 = arith.muli %scan3A_34, %mul3A_35 : i32
        %get3A = arith.index_cast %mul3A_36 : i32 to index
        %get3A_37 = tpu.vector_load %arg8[%get3A] {strides = array<i32>} : memref<2064xi32, #tpu.memory_space<vmem>>, vector<16xi32>,
        %get3A_38 = arith.index_cast %mul3A_36 : i32 to index
        %get3A_39 = tpu.vector_load %arg9[%get3A_38] {strides = array<i32>} : memref<2064xi32, #tpu.memory_space<vmem>>, vector<16xi32>,
        %get3A_40 = arith.index_cast %mul3A_36 : i32 to index
        %get3A_41 = tpu.vector_load %arg11[%get3A_40] {strides = array<i32>} : memref<2064xi32, #tpu.memory_space<vmem>>, vector<16xi32>,
        %lt3A_42 = arith.cmpi slt, %get3A_41, %get3A_39 : vector<16xi32>
        %select_n3A = arith.select %lt3A_42, %get3A_37, %broadcast_in_dim3A_17 : vector<16xi1>, vector<16xi32>
        %swap3A = arith.index_cast %mul3A_36 : i32 to index
        %swap3A_43 = tpu.vector_load %arg8[%swap3A] {strides = array<i32>} : memref<2064xi32, #tpu.memory_space<vmem>>, vector<16xi32>,
        tpu.vector_store %arg8[%swap3A], %select_n3A {strides = array<i32>} : memref<2064xi32, #tpu.memory_space<vmem>>, vector<16xi32>,
      }
      %scan3A_29 = arith.constant 129 : i32
      "tpu.region"() ({
        %run_scoped3A = tpu.sem_alloc : memref<!tpu.dma_semaphore, #tpu.memory_space<semaphore_mem>>
        %dma_start3A = arith.constant 0 : i32
        %dma_start3A_34 = tpu.memref_slice %arg5[%dma_start3A] : memref<7077896xi32, #tpu.memory_space<hbm>> -> memref<7077896xi32, #tpu.memory_space<hbm>>
        tpu.enqueue_indirect_dma source(%arg9 : memref<2064xi32, #tpu.memory_space<vmem>>) target(%dma_start3A_34 : memref<7077896xi32, #tpu.memory_space<hbm>>) offsets(%arg8 : memref<2064xi32, #tpu.memory_space<vmem>>) semaphore(%run_scoped3A : memref<!tpu.dma_semaphore, #tpu.memory_space<semaphore_mem>>)
        %dma_wait3A = arith.constant 0 : i32
        %dma_wait3A_35 = tpu.memref_slice %arg5[%dma_wait3A] : memref<7077896xi32, #tpu.memory_space<hbm>> -> memref<7077896xi32, #tpu.memory_space<hbm>>
        tpu.wait_indirect_dma semaphore(%run_scoped3A : memref<!tpu.dma_semaphore, #tpu.memory_space<semaphore_mem>>) src(%arg9 : memref<2064xi32, #tpu.memory_space<vmem>>) dst(%dma_wait3A_35 : memref<7077896xi32, #tpu.memory_space<hbm>>)
        tpu.yield
      }) : () -> ()
      %eq3A = arith.constant 15 : i32
      %eq3A_30 = arith.cmpi eq, %add3A, %eq3A : i32
      %convert_element_type3A_31 = arith.extui %eq3A_30 : i1 to i32
      %cond3A_32 = arith.constant 0 : i32
      %cond3A_33 = arith.cmpi ne, %convert_element_type3A_31, %cond3A_32 : i32
      scf.if %cond3A_33 {
        "tpu.region"() ({
          %run_scoped3A = tpu.sem_alloc : memref<!tpu.dma_semaphore, #tpu.memory_space<semaphore_mem>>
          %dma_start3A = arith.constant 0 : i32
          %dma_start3A_34 = tpu.memref_slice %arg10[%dma_start3A] : memref<16384xi32, #tpu.memory_space<vmem>> -> memref<8xi32, #tpu.memory_space<vmem>>
          %dma_start3A_35 = arith.constant 0 : i32
          %dma_start3A_36 = tpu.memref_slice %arg4[%dma_start3A_35] : memref<16384xi32, #tpu.memory_space<hbm>> -> memref<8xi32, #tpu.memory_space<hbm>>
          %dma_start3A_37 = arith.constant 0 : i32
          %dma_start3A_38 = tpu.memref_slice %arg10[%dma_start3A_37] : memref<16384xi32, #tpu.memory_space<vmem>> -> memref<8xi32, #tpu.memory_space<vmem>>
          %dma_start3A_39 = arith.constant 0 : i32
          %dma_start3A_40 = tpu.memref_slice %arg4[%dma_start3A_39] : memref<16384xi32, #tpu.memory_space<hbm>> -> memref<8xi32, #tpu.memory_space<hbm>>
          tpu.enqueue_dma source(%dma_start3A_40 : memref<8xi32, #tpu.memory_space<hbm>>) target(%dma_start3A_38 : memref<8xi32, #tpu.memory_space<vmem>>) target_semaphore(%run_scoped3A : memref<!tpu.dma_semaphore, #tpu.memory_space<semaphore_mem>>)
          %dma_wait3A = arith.constant 0 : i32
          %dma_wait3A_41 = tpu.memref_slice %arg10[%dma_wait3A] : memref<16384xi32, #tpu.memory_space<vmem>> -> memref<8xi32, #tpu.memory_space<vmem>>
          %dma_wait3A_42 = arith.constant 0 : i32
          %dma_wait3A_43 = tpu.memref_slice %arg4[%dma_wait3A_42] : memref<16384xi32, #tpu.memory_space<hbm>> -> memref<8xi32, #tpu.memory_space<hbm>>
          %dma_wait3A_44 = arith.constant 0 : i32
          %dma_wait3A_45 = tpu.memref_slice %arg10[%dma_wait3A_44] : memref<16384xi32, #tpu.memory_space<vmem>> -> memref<8xi32, #tpu.memory_space<vmem>>
          %dma_wait3A_46 = arith.constant 0 : i32
          %dma_wait3A_47 = tpu.memref_slice %arg4[%dma_wait3A_46] : memref<16384xi32, #tpu.memory_space<hbm>> -> memref<8xi32, #tpu.memory_space<hbm>>
          tpu.wait_dma2 semaphore(%run_scoped3A : memref<!tpu.dma_semaphore, #tpu.memory_space<semaphore_mem>>) src(%dma_wait3A_47 : memref<8xi32, #tpu.memory_space<hbm>>) dst(%dma_wait3A_45 : memref<8xi32, #tpu.memory_space<vmem>>)
          tpu.yield
        }) : () -> ()
        "tpu.region"() ({
          %run_scoped3A = tpu.sem_alloc : memref<!tpu.dma_semaphore, #tpu.memory_space<semaphore_mem>>
          %dma_start3A = arith.constant 0 : i32
          %dma_start3A_34 = tpu.memref_slice %arg10[%dma_start3A] : memref<16384xi32, #tpu.memory_space<vmem>> -> memref<8xi32, #tpu.memory_space<vmem>>
          %dma_start3A_35 = arith.constant 7077888 : i32
          %dma_start3A_36 = tpu.memref_slice %arg5[%dma_start3A_35] : memref<7077896xi32, #tpu.memory_space<hbm>> -> memref<8xi32, #tpu.memory_space<hbm>>
          %dma_start3A_37 = arith.constant 7077888 : i32
          %dma_start3A_38 = tpu.memref_slice %arg5[%dma_start3A_37] : memref<7077896xi32, #tpu.memory_space<hbm>> -> memref<8xi32, #tpu.memory_space<hbm>>
          %dma_start3A_39 = arith.constant 0 : i32
          %dma_start3A_40 = tpu.memref_slice %arg10[%dma_start3A_39] : memref<16384xi32, #tpu.memory_space<vmem>> -> memref<8xi32, #tpu.memory_space<vmem>>
          tpu.enqueue_dma source(%dma_start3A_40 : memref<8xi32, #tpu.memory_space<vmem>>) target(%dma_start3A_38 : memref<8xi32, #tpu.memory_space<hbm>>) target_semaphore(%run_scoped3A : memref<!tpu.dma_semaphore, #tpu.memory_space<semaphore_mem>>)
          %dma_wait3A = arith.constant 0 : i32
          %dma_wait3A_41 = tpu.memref_slice %arg10[%dma_wait3A] : memref<16384xi32, #tpu.memory_space<vmem>> -> memref<8xi32, #tpu.memory_space<vmem>>
          %dma_wait3A_42 = arith.constant 7077888 : i32
          %dma_wait3A_43 = tpu.memref_slice %arg5[%dma_wait3A_42] : memref<7077896xi32, #tpu.memory_space<hbm>> -> memref<8xi32, #tpu.memory_space<hbm>>
          %dma_wait3A_44 = arith.constant 7077888 : i32
          %dma_wait3A_45 = tpu.memref_slice %arg5[%dma_wait3A_44] : memref<7077896xi32, #tpu.memory_space<hbm>> -> memref<8xi32, #tpu.memory_space<hbm>>
          %dma_wait3A_46 = arith.constant 0 : i32
          %dma_wait3A_47 = tpu.memref_slice %arg10[%dma_wait3A_46] : memref<16384xi32, #tpu.memory_space<vmem>> -> memref<8xi32, #tpu.memory_space<vmem>>
          tpu.wait_dma2 semaphore(%run_scoped3A : memref<!tpu.dma_semaphore, #tpu.memory_space<semaphore_mem>>) src(%dma_wait3A_47 : memref<8xi32, #tpu.memory_space<vmem>>) dst(%dma_wait3A_45 : memref<8xi32, #tpu.memory_space<hbm>>)
          tpu.yield
        }) : () -> ()
      } else {
      }
    } else {
    }
    %ge3A = arith.constant 16 : i32
    %ge3A_3 = arith.cmpi sge, %add3A, %ge3A : i32
    %convert_element_type3A_4 = arith.extui %ge3A_3 : i1 to i32
    %cond3A_5 = arith.constant 0 : i32
    %cond3A_6 = arith.cmpi ne, %convert_element_type3A_4, %cond3A_5 : i32
    scf.if %cond3A_6 {
      %sub3A = arith.constant 16 : i32
      %sub3A_7 = arith.subi %add3A, %sub3A : i32
      %mul3A_8 = arith.constant 442368 : i32
      %mul3A_9 = arith.muli %sub3A_7, %mul3A_8 : i32
      "tpu.region"() ({
        %run_scoped3A = tpu.sem_alloc : memref<!tpu.dma_semaphore, #tpu.memory_space<semaphore_mem>>
        tpu.enqueue_dma source(%arg4 : memref<16384xi32, #tpu.memory_space<hbm>>) target(%arg10 : memref<16384xi32, #tpu.memory_space<vmem>>) target_semaphore(%run_scoped3A : memref<!tpu.dma_semaphore, #tpu.memory_space<semaphore_mem>>)
        tpu.wait_dma2 semaphore(%run_scoped3A : memref<!tpu.dma_semaphore, #tpu.memory_space<semaphore_mem>>) src(%arg4 : memref<16384xi32, #tpu.memory_space<hbm>>) dst(%arg10 : memref<16384xi32, #tpu.memory_space<vmem>>)
        tpu.yield
      }) : () -> ()
      %scan3A = arith.constant 0 : i32
      %scan3A_10 = arith.constant 0 : i32
      %scan3A_11 = arith.constant 27 : i32
      %scan3A_12 = arith.addi %scan3A_10, %scan3A_11 : i32
      %scan3A_13 = arith.constant 1 : i32
      scf.for %scan3A_41 = %scan3A_10 to %scan3A_12 step %scan3A_13  : i32 {
        %mul3A_42 = arith.constant 16384 : i32
        %mul3A_43 = arith.muli %scan3A_41, %mul3A_42 : i32
        %add3A_44 = arith.addi %mul3A_9, %mul3A_43 : i32
        "tpu.region"() ({
          %run_scoped3A = tpu.sem_alloc : memref<!tpu.dma_semaphore, #tpu.memory_space<semaphore_mem>>
          %dma_start3A = tpu.memref_slice %arg6[%add3A_44] : memref<7077896xi32, #tpu.memory_space<hbm>> -> memref<16384xi32, #tpu.memory_space<hbm>>
          %dma_start3A_45 = tpu.memref_slice %arg6[%add3A_44] : memref<7077896xi32, #tpu.memory_space<hbm>> -> memref<16384xi32, #tpu.memory_space<hbm>>
          tpu.enqueue_dma source(%arg10 : memref<16384xi32, #tpu.memory_space<vmem>>) target(%dma_start3A_45 : memref<16384xi32, #tpu.memory_space<hbm>>) target_semaphore(%run_scoped3A : memref<!tpu.dma_semaphore, #tpu.memory_space<semaphore_mem>>)
          %dma_wait3A = tpu.memref_slice %arg6[%add3A_44] : memref<7077896xi32, #tpu.memory_space<hbm>> -> memref<16384xi32, #tpu.memory_space<hbm>>
          %dma_wait3A_46 = tpu.memref_slice %arg6[%add3A_44] : memref<7077896xi32, #tpu.memory_space<hbm>> -> memref<16384xi32, #tpu.memory_space<hbm>>
          tpu.wait_dma2 semaphore(%run_scoped3A : memref<!tpu.dma_semaphore, #tpu.memory_space<semaphore_mem>>) src(%arg10 : memref<16384xi32, #tpu.memory_space<vmem>>) dst(%dma_wait3A_46 : memref<16384xi32, #tpu.memory_space<hbm>>)
          tpu.yield
        }) : () -> ()
      }
      %scan3A_14 = arith.constant 27 : i32
      %eq3A = arith.constant 15 : i32
      %eq3A_15 = arith.cmpi eq, %sub3A_7, %eq3A : i32
      %convert_element_type3A_16 = arith.extui %eq3A_15 : i1 to i32
      %cond3A_17 = arith.constant 0 : i32
      %cond3A_18 = arith.cmpi ne, %convert_element_type3A_16, %cond3A_17 : i32
      scf.if %cond3A_18 {
        "tpu.region"() ({
          %run_scoped3A = tpu.sem_alloc : memref<!tpu.dma_semaphore, #tpu.memory_space<semaphore_mem>>
          %dma_start3A = arith.constant 0 : i32
          %dma_start3A_41 = tpu.memref_slice %arg10[%dma_start3A] : memref<16384xi32, #tpu.memory_space<vmem>> -> memref<8xi32, #tpu.memory_space<vmem>>
          %dma_start3A_42 = arith.constant 7077888 : i32
          %dma_start3A_43 = tpu.memref_slice %arg6[%dma_start3A_42] : memref<7077896xi32, #tpu.memory_space<hbm>> -> memref<8xi32, #tpu.memory_space<hbm>>
          %dma_start3A_44 = arith.constant 7077888 : i32
          %dma_start3A_45 = tpu.memref_slice %arg6[%dma_start3A_44] : memref<7077896xi32, #tpu.memory_space<hbm>> -> memref<8xi32, #tpu.memory_space<hbm>>
          %dma_start3A_46 = arith.constant 0 : i32
          %dma_start3A_47 = tpu.memref_slice %arg10[%dma_start3A_46] : memref<16384xi32, #tpu.memory_space<vmem>> -> memref<8xi32, #tpu.memory_space<vmem>>
          tpu.enqueue_dma source(%dma_start3A_47 : memref<8xi32, #tpu.memory_space<vmem>>) target(%dma_start3A_45 : memref<8xi32, #tpu.memory_space<hbm>>) target_semaphore(%run_scoped3A : memref<!tpu.dma_semaphore, #tpu.memory_space<semaphore_mem>>)
          %dma_wait3A = arith.constant 0 : i32
          %dma_wait3A_48 = tpu.memref_slice %arg10[%dma_wait3A] : memref<16384xi32, #tpu.memory_space<vmem>> -> memref<8xi32, #tpu.memory_space<vmem>>
          %dma_wait3A_49 = arith.constant 7077888 : i32
          %dma_wait3A_50 = tpu.memref_slice %arg6[%dma_wait3A_49] : memref<7077896xi32, #tpu.memory_space<hbm>> -> memref<8xi32, #tpu.memory_space<hbm>>
          %dma_wait3A_51 = arith.constant 7077888 : i32
          %dma_wait3A_52 = tpu.memref_slice %arg6[%dma_wait3A_51] : memref<7077896xi32, #tpu.memory_space<hbm>> -> memref<8xi32, #tpu.memory_space<hbm>>
          %dma_wait3A_53 = arith.constant 0 : i32
          %dma_wait3A_54 = tpu.memref_slice %arg10[%dma_wait3A_53] : memref<16384xi32, #tpu.memory_space<vmem>> -> memref<8xi32, #tpu.memory_space<vmem>>
          tpu.wait_dma2 semaphore(%run_scoped3A : memref<!tpu.dma_semaphore, #tpu.memory_space<semaphore_mem>>) src(%dma_wait3A_54 : memref<8xi32, #tpu.memory_space<vmem>>) dst(%dma_wait3A_52 : memref<8xi32, #tpu.memory_space<hbm>>)
          tpu.yield
        }) : () -> ()
      } else {
      }
      %iota3A = tpu.iota {dimensions = array<i32: 0>} : vector<16xi32>
      %broadcast_in_dim3A = arith.constant 7077889 : i32
      %broadcast_in_dim3A_19 = vector.broadcast %broadcast_in_dim3A : i32 to vector<16xi32>
      %scan3A_20 = arith.constant 0 : i32
      %scan3A_21 = arith.constant 0 : i32
      %scan3A_22 = arith.constant 245 : i32
      %scan3A_23 = arith.addi %scan3A_21, %scan3A_22 : i32
      %scan3A_24 = arith.constant 1 : i32
      %scan3A_25 = scf.for %scan3A_41 = %scan3A_21 to %scan3A_23 step %scan3A_24 iter_args(%scan3A_42 = %scan3A_20) -> (i32)  : i32 {
        %mul3A_43 = arith.constant 2048 : i32
        %mul3A_44 = arith.muli %scan3A_41, %mul3A_43 : i32
        "tpu.region"() ({
          %run_scoped3A = tpu.sem_alloc : memref<!tpu.dma_semaphore, #tpu.memory_space<semaphore_mem>>
          %dma_start3A = tpu.memref_slice %arg3[%mul3A_44] : memref<501760xi32, #tpu.memory_space<hbm>> -> memref<2048xi32, #tpu.memory_space<hbm>>
          %dma_start3A_51 = tpu.memref_slice %arg3[%mul3A_44] : memref<501760xi32, #tpu.memory_space<hbm>> -> memref<2048xi32, #tpu.memory_space<hbm>>
          tpu.enqueue_dma source(%dma_start3A_51 : memref<2048xi32, #tpu.memory_space<hbm>>) target(%arg7 : memref<2048xi32, #tpu.memory_space<vmem>>) target_semaphore(%run_scoped3A : memref<!tpu.dma_semaphore, #tpu.memory_space<semaphore_mem>>)
          %dma_wait3A = tpu.memref_slice %arg3[%mul3A_44] : memref<501760xi32, #tpu.memory_space<hbm>> -> memref<2048xi32, #tpu.memory_space<hbm>>
          %dma_wait3A_52 = tpu.memref_slice %arg3[%mul3A_44] : memref<501760xi32, #tpu.memory_space<hbm>> -> memref<2048xi32, #tpu.memory_space<hbm>>
          tpu.wait_dma2 semaphore(%run_scoped3A : memref<!tpu.dma_semaphore, #tpu.memory_space<semaphore_mem>>) src(%dma_wait3A_52 : memref<2048xi32, #tpu.memory_space<hbm>>) dst(%arg7 : memref<2048xi32, #tpu.memory_space<vmem>>)
          tpu.yield
        }) : () -> ()
        %scan3A_45 = arith.constant 0 : i32
        %scan3A_46 = arith.constant 128 : i32
        %scan3A_47 = arith.addi %scan3A_45, %scan3A_46 : i32
        %scan3A_48 = arith.constant 1 : i32
        %scan3A_49 = scf.for %scan3A_51 = %scan3A_45 to %scan3A_47 step %scan3A_48 iter_args(%scan3A_52 = %scan3A_42) -> (i32)  : i32 {
          %mul3A_53 = arith.constant 16 : i32
          %mul3A_54 = arith.muli %scan3A_51, %mul3A_53 : i32
          %get3A = arith.index_cast %mul3A_54 : i32 to index
          %get3A_55 = tpu.vector_load %arg7[%get3A] {strides = array<i32>} : memref<2048xi32, #tpu.memory_space<vmem>>, vector<16xi32>,
          %mul3A_56 = arith.constant 2048 : i32
          %mul3A_57 = arith.muli %scan3A_41, %mul3A_56 : i32
          %mul3A_58 = arith.constant 16 : i32
          %mul3A_59 = arith.muli %scan3A_51, %mul3A_58 : i32
          %add3A_60 = arith.addi %mul3A_57, %mul3A_59 : i32
          %add3A_61 = vector.broadcast %add3A_60 : i32 to vector<16xi32>
          %add3A_62 = arith.addi %add3A_61, %iota3A : vector<16xi32>
          %sub3A_63 = vector.broadcast %mul3A_9 : i32 to vector<16xi32>
          %sub3A_64 = arith.subi %get3A_55, %sub3A_63 : vector<16xi32>
          %lt3A_65 = arith.constant 442368 : i32
          %lt3A_66 = vector.broadcast %lt3A_65 : i32 to vector<16xi32>
          %lt3A_67 = arith.cmpi ult, %sub3A_64, %lt3A_66 : vector<16xi32>
          %all_reduce_population_count3A = tpu.all_reduce %lt3A_67 {dim = 0 : i64, kind = #tpu.reduction_kind<sum>} : vector<16xi1> -> vector<16xi32>
          %reduce_max3A = arith.constant true
          %reduce_max3A_68 = vector.broadcast %reduce_max3A : i1 to vector<16xi1>
          %reduce_max3A_69 = arith.constant -2147483648 : i32
          %reduce_max3A_70 = vector.broadcast %reduce_max3A_69 : i32 to vector<16xi32>
          %reduce_max3A_71 = arith.xori %all_reduce_population_count3A, %reduce_max3A_70 : vector<16xi32>
          %reduce_max3A_72 = tpu.scan <max>, %reduce_max3A_71 masked %reduce_max3A_68 : vector<16xi32>, vector<16xi1> -> vector<16xi32>
          %reduce_max3A_73 = arith.xori %reduce_max3A_72, %reduce_max3A_70 : vector<16xi32>
          %reduce_max3A_74 = vector.extract %reduce_max3A_73[15] : i32 from vector<16xi32>
          %swap3A = arith.index_cast %scan3A_52 : i32 to index
          %swap3A_75 = tpu.vector_load %arg8[%swap3A] masked %lt3A_67 {strides = array<i32>} : memref<2064xi32, #tpu.memory_space<vmem>>, vector<16xi32>, vector<16xi1>
          tpu.vector_store %arg8[%swap3A], %get3A_55 masked %lt3A_67 {strides = array<i32>} : memref<2064xi32, #tpu.memory_space<vmem>>, vector<16xi32>, vector<16xi1>
          %swap3A_76 = arith.index_cast %scan3A_52 : i32 to index
          %swap3A_77 = tpu.vector_load %arg9[%swap3A_76] masked %lt3A_67 {strides = array<i32>} : memref<2064xi32, #tpu.memory_space<vmem>>, vector<16xi32>, vector<16xi1>
          tpu.vector_store %arg9[%swap3A_76], %add3A_62 masked %lt3A_67 {strides = array<i32>} : memref<2064xi32, #tpu.memory_space<vmem>>, vector<16xi32>, vector<16xi1>
          %add3A_78 = arith.addi %scan3A_52, %reduce_max3A_74 : i32
          %ge3A_79 = arith.constant 2048 : i32
          %ge3A_80 = arith.cmpi sge, %add3A_78, %ge3A_79 : i32
          %convert_element_type3A_81 = arith.extui %ge3A_80 : i1 to i32
          %cond3A_82 = arith.constant 0 : i32
          %cond3A_83 = arith.cmpi ne, %convert_element_type3A_81, %cond3A_82 : i32
          scf.if %cond3A_83 {
            %add3A_88 = arith.constant 2048 : i32
            %add3A_89 = vector.broadcast %add3A_88 : i32 to vector<16xi32>
            %add3A_90 = arith.addi %add3A_89, %iota3A : vector<16xi32>
            %ge3A_91 = vector.broadcast %add3A_78 : i32 to vector<16xi32>
            %ge3A_92 = arith.cmpi sge, %add3A_90, %ge3A_91 : vector<16xi32>
            tpu.vector_store_idx %arg8[%add3A_90], %broadcast_in_dim3A_19 masked %ge3A_92 : memref<2064xi32, #tpu.memory_space<vmem>>[vector<16xi32>], vector<16xi32>, vector<16xi1>
            "tpu.region"() ({
              %run_scoped3A = tpu.sem_alloc : memref<!tpu.dma_semaphore, #tpu.memory_space<semaphore_mem>>
              %dma_start3A = arith.constant 0 : i32
              %dma_start3A_115 = tpu.memref_slice %arg6[%dma_start3A] : memref<7077896xi32, #tpu.memory_space<hbm>> -> memref<7077896xi32, #tpu.memory_space<hbm>>
              tpu.enqueue_indirect_dma source(%arg9 : memref<2064xi32, #tpu.memory_space<vmem>>) target(%dma_start3A_115 : memref<7077896xi32, #tpu.memory_space<hbm>>) offsets(%arg8 : memref<2064xi32, #tpu.memory_space<vmem>>) semaphore(%run_scoped3A : memref<!tpu.dma_semaphore, #tpu.memory_space<semaphore_mem>>)
              %dma_wait3A = arith.constant 0 : i32
              %dma_wait3A_116 = tpu.memref_slice %arg6[%dma_wait3A] : memref<7077896xi32, #tpu.memory_space<hbm>> -> memref<7077896xi32, #tpu.memory_space<hbm>>
              tpu.wait_indirect_dma semaphore(%run_scoped3A : memref<!tpu.dma_semaphore, #tpu.memory_space<semaphore_mem>>) src(%arg9 : memref<2064xi32, #tpu.memory_space<vmem>>) dst(%dma_wait3A_116 : memref<7077896xi32, #tpu.memory_space<hbm>>)
              tpu.yield
            }) : () -> ()
            %get3A_93 = arith.constant 2048 : index
            %get3A_94 = tpu.vector_load %arg8[%get3A_93] {strides = array<i32>} : memref<2064xi32, #tpu.memory_space<vmem>>, vector<16xi32>,
            %swap3A_95 = arith.constant 0 : index
            %swap3A_96 = tpu.vector_load %arg8[%swap3A_95] {strides = array<i32>} : memref<2064xi32, #tpu.memory_space<vmem>>, vector<16xi32>,
            tpu.vector_store %arg8[%swap3A_95], %get3A_94 {strides = array<i32>} : memref<2064xi32, #tpu.memory_space<vmem>>, vector<16xi32>,
            %get3A_97 = arith.constant 2048 : index
            %get3A_98 = tpu.vector_load %arg9[%get3A_97] {strides = array<i32>} : memref<2064xi32, #tpu.memory_space<vmem>>, vector<16xi32>,
            %swap3A_99 = arith.constant 0 : index
            %swap3A_100 = tpu.vector_load %arg9[%swap3A_99] {strides = array<i32>} : memref<2064xi32, #tpu.memory_space<vmem>>, vector<16xi32>,
            tpu.vector_store %arg9[%swap3A_99], %get3A_98 {strides = array<i32>} : memref<2064xi32, #tpu.memory_space<vmem>>, vector<16xi32>,
            %broadcast_in_dim3A_101 = arith.constant 7077889 : i32
            %broadcast_in_dim3A_102 = vector.broadcast %broadcast_in_dim3A_101 : i32 to vector<16xi32>
            "tpu.region"() ({
              %run_scoped3A = tpu.sem_alloc : memref<!tpu.dma_semaphore, #tpu.memory_space<semaphore_mem>>
              %dma_start3A = arith.constant 0 : i32
              %dma_start3A_115 = tpu.memref_slice %arg6[%dma_start3A] : memref<7077896xi32, #tpu.memory_space<hbm>> -> memref<7077896xi32, #tpu.memory_space<hbm>>
              tpu.enqueue_indirect_dma source(%dma_start3A_115 : memref<7077896xi32, #tpu.memory_space<hbm>>) target(%arg11 : memref<2064xi32, #tpu.memory_space<vmem>>) offsets(%arg8 : memref<2064xi32, #tpu.memory_space<vmem>>) semaphore(%run_scoped3A : memref<!tpu.dma_semaphore, #tpu.memory_space<semaphore_mem>>)
              %dma_wait3A = arith.constant 0 : i32
              %dma_wait3A_116 = tpu.memref_slice %arg6[%dma_wait3A] : memref<7077896xi32, #tpu.memory_space<hbm>> -> memref<7077896xi32, #tpu.memory_space<hbm>>
              tpu.wait_indirect_dma semaphore(%run_scoped3A : memref<!tpu.dma_semaphore, #tpu.memory_space<semaphore_mem>>) src(%dma_wait3A_116 : memref<7077896xi32, #tpu.memory_space<hbm>>) dst(%arg11 : memref<2064xi32, #tpu.memory_space<vmem>>)
              tpu.yield
            }) : () -> ()
            %scan3A_103 = arith.constant 0 : i32
            %scan3A_104 = arith.constant 0 : i32
            %scan3A_105 = arith.constant 129 : i32
            %scan3A_106 = arith.addi %scan3A_104, %scan3A_105 : i32
            %scan3A_107 = arith.constant 1 : i32
            scf.for %scan3A_115 = %scan3A_104 to %scan3A_106 step %scan3A_107  : i32 {
              %mul3A_116 = arith.constant 16 : i32
              %mul3A_117 = arith.muli %scan3A_115, %mul3A_116 : i32
              %get3A_118 = arith.index_cast %mul3A_117 : i32 to index
              %get3A_119 = tpu.vector_load %arg8[%get3A_118] {strides = array<i32>} : memref<2064xi32, #tpu.memory_space<vmem>>, vector<16xi32>,
              %get3A_120 = arith.index_cast %mul3A_117 : i32 to index
              %get3A_121 = tpu.vector_load %arg9[%get3A_120] {strides = array<i32>} : memref<2064xi32, #tpu.memory_space<vmem>>, vector<16xi32>,
              %get3A_122 = arith.index_cast %mul3A_117 : i32 to index
              %get3A_123 = tpu.vector_load %arg11[%get3A_122] {strides = array<i32>} : memref<2064xi32, #tpu.memory_space<vmem>>, vector<16xi32>,
              %lt3A_124 = arith.cmpi slt, %get3A_123, %get3A_121 : vector<16xi32>
              %select_n3A_125 = arith.select %lt3A_124, %get3A_119, %broadcast_in_dim3A_102 : vector<16xi1>, vector<16xi32>
              %swap3A_126 = arith.index_cast %mul3A_117 : i32 to index
              %swap3A_127 = tpu.vector_load %arg8[%swap3A_126] {strides = array<i32>} : memref<2064xi32, #tpu.memory_space<vmem>>, vector<16xi32>,
              tpu.vector_store %arg8[%swap3A_126], %select_n3A_125 {strides = array<i32>} : memref<2064xi32, #tpu.memory_space<vmem>>, vector<16xi32>,
            }
            %scan3A_108 = arith.constant 129 : i32
            "tpu.region"() ({
              %run_scoped3A = tpu.sem_alloc : memref<!tpu.dma_semaphore, #tpu.memory_space<semaphore_mem>>
              %dma_start3A = arith.constant 0 : i32
              %dma_start3A_115 = tpu.memref_slice %arg6[%dma_start3A] : memref<7077896xi32, #tpu.memory_space<hbm>> -> memref<7077896xi32, #tpu.memory_space<hbm>>
              tpu.enqueue_indirect_dma source(%arg9 : memref<2064xi32, #tpu.memory_space<vmem>>) target(%dma_start3A_115 : memref<7077896xi32, #tpu.memory_space<hbm>>) offsets(%arg8 : memref<2064xi32, #tpu.memory_space<vmem>>) semaphore(%run_scoped3A : memref<!tpu.dma_semaphore, #tpu.memory_space<semaphore_mem>>)
              %dma_wait3A = arith.constant 0 : i32
              %dma_wait3A_116 = tpu.memref_slice %arg6[%dma_wait3A] : memref<7077896xi32, #tpu.memory_space<hbm>> -> memref<7077896xi32, #tpu.memory_space<hbm>>
              tpu.wait_indirect_dma semaphore(%run_scoped3A : memref<!tpu.dma_semaphore, #tpu.memory_space<semaphore_mem>>) src(%arg9 : memref<2064xi32, #tpu.memory_space<vmem>>) dst(%dma_wait3A_116 : memref<7077896xi32, #tpu.memory_space<hbm>>)
              tpu.yield
            }) : () -> ()
            "tpu.region"() ({
              %run_scoped3A = tpu.sem_alloc : memref<!tpu.dma_semaphore, #tpu.memory_space<semaphore_mem>>
              %dma_start3A = arith.constant 0 : i32
              %dma_start3A_115 = tpu.memref_slice %arg6[%dma_start3A] : memref<7077896xi32, #tpu.memory_space<hbm>> -> memref<7077896xi32, #tpu.memory_space<hbm>>
              tpu.enqueue_indirect_dma source(%dma_start3A_115 : memref<7077896xi32, #tpu.memory_space<hbm>>) target(%arg11 : memref<2064xi32, #tpu.memory_space<vmem>>) offsets(%arg8 : memref<2064xi32, #tpu.memory_space<vmem>>) semaphore(%run_scoped3A : memref<!tpu.dma_semaphore, #tpu.memory_space<semaphore_mem>>)
              %dma_wait3A = arith.constant 0 : i32
              %dma_wait3A_116 = tpu.memref_slice %arg6[%dma_wait3A] : memref<7077896xi32, #tpu.memory_space<hbm>> -> memref<7077896xi32, #tpu.memory_space<hbm>>
              tpu.wait_indirect_dma semaphore(%run_scoped3A : memref<!tpu.dma_semaphore, #tpu.memory_space<semaphore_mem>>) src(%dma_wait3A_116 : memref<7077896xi32, #tpu.memory_space<hbm>>) dst(%arg11 : memref<2064xi32, #tpu.memory_space<vmem>>)
              tpu.yield
            }) : () -> ()
            %scan3A_109 = arith.constant 0 : i32
            %scan3A_110 = arith.constant 0 : i32
            %scan3A_111 = arith.constant 129 : i32
            %scan3A_112 = arith.addi %scan3A_110, %scan3A_111 : i32
            %scan3A_113 = arith.constant 1 : i32
            scf.for %scan3A_115 = %scan3A_110 to %scan3A_112 step %scan3A_113  : i32 {
              %mul3A_116 = arith.constant 16 : i32
              %mul3A_117 = arith.muli %scan3A_115, %mul3A_116 : i32
              %get3A_118 = arith.index_cast %mul3A_117 : i32 to index
              %get3A_119 = tpu.vector_load %arg8[%get3A_118] {strides = array<i32>} : memref<2064xi32, #tpu.memory_space<vmem>>, vector<16xi32>,
              %get3A_120 = arith.index_cast %mul3A_117 : i32 to index
              %get3A_121 = tpu.vector_load %arg9[%get3A_120] {strides = array<i32>} : memref<2064xi32, #tpu.memory_space<vmem>>, vector<16xi32>,
              %get3A_122 = arith.index_cast %mul3A_117 : i32 to index
              %get3A_123 = tpu.vector_load %arg11[%get3A_122] {strides = array<i32>} : memref<2064xi32, #tpu.memory_space<vmem>>, vector<16xi32>,
              %lt3A_124 = arith.cmpi slt, %get3A_123, %get3A_121 : vector<16xi32>
              %select_n3A_125 = arith.select %lt3A_124, %get3A_119, %broadcast_in_dim3A_102 : vector<16xi1>, vector<16xi32>
              %swap3A_126 = arith.index_cast %mul3A_117 : i32 to index
              %swap3A_127 = tpu.vector_load %arg8[%swap3A_126] {strides = array<i32>} : memref<2064xi32, #tpu.memory_space<vmem>>, vector<16xi32>,
              tpu.vector_store %arg8[%swap3A_126], %select_n3A_125 {strides = array<i32>} : memref<2064xi32, #tpu.memory_space<vmem>>, vector<16xi32>,
            }
            %scan3A_114 = arith.constant 129 : i32
            "tpu.region"() ({
              %run_scoped3A = tpu.sem_alloc : memref<!tpu.dma_semaphore, #tpu.memory_space<semaphore_mem>>
              %dma_start3A = arith.constant 0 : i32
              %dma_start3A_115 = tpu.memref_slice %arg6[%dma_start3A] : memref<7077896xi32, #tpu.memory_space<hbm>> -> memref<7077896xi32, #tpu.memory_space<hbm>>
              tpu.enqueue_indirect_dma source(%arg9 : memref<2064xi32, #tpu.memory_space<vmem>>) target(%dma_start3A_115 : memref<7077896xi32, #tpu.memory_space<hbm>>) offsets(%arg8 : memref<2064xi32, #tpu.memory_space<vmem>>) semaphore(%run_scoped3A : memref<!tpu.dma_semaphore, #tpu.memory_space<semaphore_mem>>)
              %dma_wait3A = arith.constant 0 : i32
              %dma_wait3A_116 = tpu.memref_slice %arg6[%dma_wait3A] : memref<7077896xi32, #tpu.memory_space<hbm>> -> memref<7077896xi32, #tpu.memory_space<hbm>>
              tpu.wait_indirect_dma semaphore(%run_scoped3A : memref<!tpu.dma_semaphore, #tpu.memory_space<semaphore_mem>>) src(%arg9 : memref<2064xi32, #tpu.memory_space<vmem>>) dst(%dma_wait3A_116 : memref<7077896xi32, #tpu.memory_space<hbm>>)
              tpu.yield
            }) : () -> ()
          } else {
          }
          %ge3A_84 = arith.constant 2048 : i32
          %ge3A_85 = arith.cmpi sge, %add3A_78, %ge3A_84 : i32
          %sub3A_86 = arith.constant 2048 : i32
          %sub3A_87 = arith.subi %add3A_78, %sub3A_86 : i32
          %select_n3A = arith.select %ge3A_85, %sub3A_87, %add3A_78 : i32
          scf.yield %select_n3A : i32
        }
        %scan3A_50 = arith.constant 128 : i32
        scf.yield %scan3A_49 : i32
      }
      %scan3A_26 = arith.constant 245 : i32
      %while3A = scf.while (%while3A_41 = %scan3A_25) : (i32) -> i32 {
        %lt3A_42 = arith.constant 2064 : i32
        %lt3A_43 = arith.cmpi slt, %while3A_41, %lt3A_42 : i32
        scf.condition(%lt3A_43) %while3A_41 : i32
      } do {
      ^bb0(%while3A_41: i32):
        %min3A = arith.constant 2048 : i32
        %min3A_42 = arith.minsi %while3A_41, %min3A : i32
        %swap3A = arith.index_cast %min3A_42 : i32 to index
        %swap3A_43 = tpu.vector_load %arg8[%swap3A] {strides = array<i32>} : memref<2064xi32, #tpu.memory_space<vmem>>, vector<16xi32>,
        tpu.vector_store %arg8[%swap3A], %broadcast_in_dim3A_19 {strides = array<i32>} : memref<2064xi32, #tpu.memory_space<vmem>>, vector<16xi32>,
        %add3A_44 = arith.constant 16 : i32
        %add3A_45 = arith.addi %while3A_41, %add3A_44 : i32
        scf.yield %add3A_45 : i32
      }
      "tpu.region"() ({
        %run_scoped3A = tpu.sem_alloc : memref<!tpu.dma_semaphore, #tpu.memory_space<semaphore_mem>>
        %dma_start3A = arith.constant 0 : i32
        %dma_start3A_41 = tpu.memref_slice %arg6[%dma_start3A] : memref<7077896xi32, #tpu.memory_space<hbm>> -> memref<7077896xi32, #tpu.memory_space<hbm>>
        tpu.enqueue_indirect_dma source(%arg9 : memref<2064xi32, #tpu.memory_space<vmem>>) target(%dma_start3A_41 : memref<7077896xi32, #tpu.memory_space<hbm>>) offsets(%arg8 : memref<2064xi32, #tpu.memory_space<vmem>>) semaphore(%run_scoped3A : memref<!tpu.dma_semaphore, #tpu.memory_space<semaphore_mem>>)
        %dma_wait3A = arith.constant 0 : i32
        %dma_wait3A_42 = tpu.memref_slice %arg6[%dma_wait3A] : memref<7077896xi32, #tpu.memory_space<hbm>> -> memref<7077896xi32, #tpu.memory_space<hbm>>
        tpu.wait_indirect_dma semaphore(%run_scoped3A : memref<!tpu.dma_semaphore, #tpu.memory_space<semaphore_mem>>) src(%arg9 : memref<2064xi32, #tpu.memory_space<vmem>>) dst(%dma_wait3A_42 : memref<7077896xi32, #tpu.memory_space<hbm>>)
        tpu.yield
      }) : () -> ()
      %broadcast_in_dim3A_27 = arith.constant 7077889 : i32
      %broadcast_in_dim3A_28 = vector.broadcast %broadcast_in_dim3A_27 : i32 to vector<16xi32>
      "tpu.region"() ({
        %run_scoped3A = tpu.sem_alloc : memref<!tpu.dma_semaphore, #tpu.memory_space<semaphore_mem>>
        %dma_start3A = arith.constant 0 : i32
        %dma_start3A_41 = tpu.memref_slice %arg6[%dma_start3A] : memref<7077896xi32, #tpu.memory_space<hbm>> -> memref<7077896xi32, #tpu.memory_space<hbm>>
        tpu.enqueue_indirect_dma source(%dma_start3A_41 : memref<7077896xi32, #tpu.memory_space<hbm>>) target(%arg11 : memref<2064xi32, #tpu.memory_space<vmem>>) offsets(%arg8 : memref<2064xi32, #tpu.memory_space<vmem>>) semaphore(%run_scoped3A : memref<!tpu.dma_semaphore, #tpu.memory_space<semaphore_mem>>)
        %dma_wait3A = arith.constant 0 : i32
        %dma_wait3A_42 = tpu.memref_slice %arg6[%dma_wait3A] : memref<7077896xi32, #tpu.memory_space<hbm>> -> memref<7077896xi32, #tpu.memory_space<hbm>>
        tpu.wait_indirect_dma semaphore(%run_scoped3A : memref<!tpu.dma_semaphore, #tpu.memory_space<semaphore_mem>>) src(%dma_wait3A_42 : memref<7077896xi32, #tpu.memory_space<hbm>>) dst(%arg11 : memref<2064xi32, #tpu.memory_space<vmem>>)
        tpu.yield
      }) : () -> ()
      %scan3A_29 = arith.constant 0 : i32
      %scan3A_30 = arith.constant 0 : i32
      %scan3A_31 = arith.constant 129 : i32
      %scan3A_32 = arith.addi %scan3A_30, %scan3A_31 : i32
      %scan3A_33 = arith.constant 1 : i32
      scf.for %scan3A_41 = %scan3A_30 to %scan3A_32 step %scan3A_33  : i32 {
        %mul3A_42 = arith.constant 16 : i32
        %mul3A_43 = arith.muli %scan3A_41, %mul3A_42 : i32
        %get3A = arith.index_cast %mul3A_43 : i32 to index
        %get3A_44 = tpu.vector_load %arg8[%get3A] {strides = array<i32>} : memref<2064xi32, #tpu.memory_space<vmem>>, vector<16xi32>,
        %get3A_45 = arith.index_cast %mul3A_43 : i32 to index
        %get3A_46 = tpu.vector_load %arg9[%get3A_45] {strides = array<i32>} : memref<2064xi32, #tpu.memory_space<vmem>>, vector<16xi32>,
        %get3A_47 = arith.index_cast %mul3A_43 : i32 to index
        %get3A_48 = tpu.vector_load %arg11[%get3A_47] {strides = array<i32>} : memref<2064xi32, #tpu.memory_space<vmem>>, vector<16xi32>,
        %lt3A_49 = arith.cmpi slt, %get3A_48, %get3A_46 : vector<16xi32>
        %select_n3A = arith.select %lt3A_49, %get3A_44, %broadcast_in_dim3A_28 : vector<16xi1>, vector<16xi32>
        %swap3A = arith.index_cast %mul3A_43 : i32 to index
        %swap3A_50 = tpu.vector_load %arg8[%swap3A] {strides = array<i32>} : memref<2064xi32, #tpu.memory_space<vmem>>, vector<16xi32>,
        tpu.vector_store %arg8[%swap3A], %select_n3A {strides = array<i32>} : memref<2064xi32, #tpu.memory_space<vmem>>, vector<16xi32>,
      }
      %scan3A_34 = arith.constant 129 : i32
      "tpu.region"() ({
        %run_scoped3A = tpu.sem_alloc : memref<!tpu.dma_semaphore, #tpu.memory_space<semaphore_mem>>
        %dma_start3A = arith.constant 0 : i32
        %dma_start3A_41 = tpu.memref_slice %arg6[%dma_start3A] : memref<7077896xi32, #tpu.memory_space<hbm>> -> memref<7077896xi32, #tpu.memory_space<hbm>>
        tpu.enqueue_indirect_dma source(%arg9 : memref<2064xi32, #tpu.memory_space<vmem>>) target(%dma_start3A_41 : memref<7077896xi32, #tpu.memory_space<hbm>>) offsets(%arg8 : memref<2064xi32, #tpu.memory_space<vmem>>) semaphore(%run_scoped3A : memref<!tpu.dma_semaphore, #tpu.memory_space<semaphore_mem>>)
        %dma_wait3A = arith.constant 0 : i32
        %dma_wait3A_42 = tpu.memref_slice %arg6[%dma_wait3A] : memref<7077896xi32, #tpu.memory_space<hbm>> -> memref<7077896xi32, #tpu.memory_space<hbm>>
        tpu.wait_indirect_dma semaphore(%run_scoped3A : memref<!tpu.dma_semaphore, #tpu.memory_space<semaphore_mem>>) src(%arg9 : memref<2064xi32, #tpu.memory_space<vmem>>) dst(%dma_wait3A_42 : memref<7077896xi32, #tpu.memory_space<hbm>>)
        tpu.yield
      }) : () -> ()
      "tpu.region"() ({
        %run_scoped3A = tpu.sem_alloc : memref<!tpu.dma_semaphore, #tpu.memory_space<semaphore_mem>>
        %dma_start3A = arith.constant 0 : i32
        %dma_start3A_41 = tpu.memref_slice %arg6[%dma_start3A] : memref<7077896xi32, #tpu.memory_space<hbm>> -> memref<7077896xi32, #tpu.memory_space<hbm>>
        tpu.enqueue_indirect_dma source(%dma_start3A_41 : memref<7077896xi32, #tpu.memory_space<hbm>>) target(%arg11 : memref<2064xi32, #tpu.memory_space<vmem>>) offsets(%arg8 : memref<2064xi32, #tpu.memory_space<vmem>>) semaphore(%run_scoped3A : memref<!tpu.dma_semaphore, #tpu.memory_space<semaphore_mem>>)
        %dma_wait3A = arith.constant 0 : i32
        %dma_wait3A_42 = tpu.memref_slice %arg6[%dma_wait3A] : memref<7077896xi32, #tpu.memory_space<hbm>> -> memref<7077896xi32, #tpu.memory_space<hbm>>
        tpu.wait_indirect_dma semaphore(%run_scoped3A : memref<!tpu.dma_semaphore, #tpu.memory_space<semaphore_mem>>) src(%dma_wait3A_42 : memref<7077896xi32, #tpu.memory_space<hbm>>) dst(%arg11 : memref<2064xi32, #tpu.memory_space<vmem>>)
        tpu.yield
      }) : () -> ()
      %scan3A_35 = arith.constant 0 : i32
      %scan3A_36 = arith.constant 0 : i32
      %scan3A_37 = arith.constant 129 : i32
      %scan3A_38 = arith.addi %scan3A_36, %scan3A_37 : i32
      %scan3A_39 = arith.constant 1 : i32
      scf.for %scan3A_41 = %scan3A_36 to %scan3A_38 step %scan3A_39  : i32 {
        %mul3A_42 = arith.constant 16 : i32
        %mul3A_43 = arith.muli %scan3A_41, %mul3A_42 : i32
        %get3A = arith.index_cast %mul3A_43 : i32 to index
        %get3A_44 = tpu.vector_load %arg8[%get3A] {strides = array<i32>} : memref<2064xi32, #tpu.memory_space<vmem>>, vector<16xi32>,
        %get3A_45 = arith.index_cast %mul3A_43 : i32 to index
        %get3A_46 = tpu.vector_load %arg9[%get3A_45] {strides = array<i32>} : memref<2064xi32, #tpu.memory_space<vmem>>, vector<16xi32>,
        %get3A_47 = arith.index_cast %mul3A_43 : i32 to index
        %get3A_48 = tpu.vector_load %arg11[%get3A_47] {strides = array<i32>} : memref<2064xi32, #tpu.memory_space<vmem>>, vector<16xi32>,
        %lt3A_49 = arith.cmpi slt, %get3A_48, %get3A_46 : vector<16xi32>
        %select_n3A = arith.select %lt3A_49, %get3A_44, %broadcast_in_dim3A_28 : vector<16xi1>, vector<16xi32>
        %swap3A = arith.index_cast %mul3A_43 : i32 to index
        %swap3A_50 = tpu.vector_load %arg8[%swap3A] {strides = array<i32>} : memref<2064xi32, #tpu.memory_space<vmem>>, vector<16xi32>,
        tpu.vector_store %arg8[%swap3A], %select_n3A {strides = array<i32>} : memref<2064xi32, #tpu.memory_space<vmem>>, vector<16xi32>,
      }
      %scan3A_40 = arith.constant 129 : i32
      "tpu.region"() ({
        %run_scoped3A = tpu.sem_alloc : memref<!tpu.dma_semaphore, #tpu.memory_space<semaphore_mem>>
        %dma_start3A = arith.constant 0 : i32
        %dma_start3A_41 = tpu.memref_slice %arg6[%dma_start3A] : memref<7077896xi32, #tpu.memory_space<hbm>> -> memref<7077896xi32, #tpu.memory_space<hbm>>
        tpu.enqueue_indirect_dma source(%arg9 : memref<2064xi32, #tpu.memory_space<vmem>>) target(%dma_start3A_41 : memref<7077896xi32, #tpu.memory_space<hbm>>) offsets(%arg8 : memref<2064xi32, #tpu.memory_space<vmem>>) semaphore(%run_scoped3A : memref<!tpu.dma_semaphore, #tpu.memory_space<semaphore_mem>>)
        %dma_wait3A = arith.constant 0 : i32
        %dma_wait3A_42 = tpu.memref_slice %arg6[%dma_wait3A] : memref<7077896xi32, #tpu.memory_space<hbm>> -> memref<7077896xi32, #tpu.memory_space<hbm>>
        tpu.wait_indirect_dma semaphore(%run_scoped3A : memref<!tpu.dma_semaphore, #tpu.memory_space<semaphore_mem>>) src(%arg9 : memref<2064xi32, #tpu.memory_space<vmem>>) dst(%dma_wait3A_42 : memref<7077896xi32, #tpu.memory_space<hbm>>)
        tpu.yield
      }) : () -> ()
    } else {
    }
    return
  }
}

#map = affine_map<(d0, d1) -> (0)>
module attributes {stable_mosaic.version = 14 : i64} {
  func.func @kern(%arg0: i32, %arg1: i32, %arg2: memref<501760xi32, #tpu.memory_space<hbm>>, %arg3: memref<7077896xi32, #tpu.memory_space<hbm>>, %arg4: memref<7077896xi32, #tpu.memory_space<hbm>>, %arg5: memref<2000032xf32, #tpu.memory_space<hbm>>, %arg6: memref<2000032xf32, #tpu.memory_space<hbm>>, %arg7: memref<2007040xf32, #tpu.memory_space<hbm>>, %arg8: memref<2007040xf32, #tpu.memory_space<hbm>>, %arg9: memref<2048xi32, #tpu.memory_space<vmem>>, %arg10: memref<2048xi32, #tpu.memory_space<vmem>>, %arg11: memref<2048xi32, #tpu.memory_space<vmem>>, %arg12: memref<8192xi32, #tpu.memory_space<vmem>>, %arg13: memref<8192xi32, #tpu.memory_space<vmem>>, %arg14: memref<8192xf32, #tpu.memory_space<vmem>>, %arg15: memref<8192xf32, #tpu.memory_space<vmem>>, %arg16: memref<!tpu.dma_semaphore, #tpu.memory_space<semaphore_mem>>, %arg17: memref<!tpu.dma_semaphore, #tpu.memory_space<semaphore_mem>>) attributes {dimension_semantics = [#tpu.dimension_semantics<core_parallel>, #tpu.dimension_semantics<subcore_parallel>], iteration_bounds = array<i64: 2, 16>, scalar_prefetch = 0 : i64, scratch_operands = 9 : i64, tpu.core_type = #tpu.core_type<sc_vector_subcore>, window_params = [{transform_indices = #map}, {transform_indices = #map}, {transform_indices = #map}, {transform_indices = #map}, {transform_indices = #map}, {transform_indices = #map}, {transform_indices = #map}]} {
    %mul3A = arith.constant 2 : i32
    %mul3A_0 = arith.muli %arg1, %mul3A : i32
    %add3A = arith.addi %mul3A_0, %arg0 : i32
    %iota3A = tpu.iota {dimensions = array<i32: 0>} : vector<16xi32>
    %scan3A = arith.constant 0 : i32
    %scan3A_1 = arith.constant 0 : i32
    %scan3A_2 = arith.constant 8 : i32
    %scan3A_3 = arith.addi %scan3A_1, %scan3A_2 : i32
    %scan3A_4 = arith.constant 1 : i32
    scf.for %scan3A_6 = %scan3A_1 to %scan3A_3 step %scan3A_4  : i32 {
      %mul3A_7 = arith.constant 32 : i32
      %mul3A_8 = arith.muli %mul3A_7, %scan3A_6 : i32
      %add3A_9 = arith.addi %add3A, %mul3A_8 : i32
      %lt3A = arith.constant 245 : i32
      %lt3A_10 = arith.cmpi slt, %add3A_9, %lt3A : i32
      %convert_element_type3A = arith.extui %lt3A_10 : i1 to i32
      %cond3A = arith.constant 0 : i32
      %cond3A_11 = arith.cmpi ne, %convert_element_type3A, %cond3A : i32
      scf.if %cond3A_11 {
        %mul3A_12 = arith.constant 2048 : i32
        %mul3A_13 = arith.muli %add3A_9, %mul3A_12 : i32
        "tpu.region"() ({
          %run_scoped3A = tpu.sem_alloc : memref<!tpu.dma_semaphore, #tpu.memory_space<semaphore_mem>>
          %dma_start3A_38 = tpu.memref_slice %arg2[%mul3A_13] : memref<501760xi32, #tpu.memory_space<hbm>> -> memref<2048xi32, #tpu.memory_space<hbm>>
          %dma_start3A_39 = tpu.memref_slice %arg2[%mul3A_13] : memref<501760xi32, #tpu.memory_space<hbm>> -> memref<2048xi32, #tpu.memory_space<hbm>>
          tpu.enqueue_dma source(%dma_start3A_39 : memref<2048xi32, #tpu.memory_space<hbm>>) target(%arg9 : memref<2048xi32, #tpu.memory_space<vmem>>) target_semaphore(%run_scoped3A : memref<!tpu.dma_semaphore, #tpu.memory_space<semaphore_mem>>)
          %dma_wait3A_40 = tpu.memref_slice %arg2[%mul3A_13] : memref<501760xi32, #tpu.memory_space<hbm>> -> memref<2048xi32, #tpu.memory_space<hbm>>
          %dma_wait3A_41 = tpu.memref_slice %arg2[%mul3A_13] : memref<501760xi32, #tpu.memory_space<hbm>> -> memref<2048xi32, #tpu.memory_space<hbm>>
          tpu.wait_dma2 semaphore(%run_scoped3A : memref<!tpu.dma_semaphore, #tpu.memory_space<semaphore_mem>>) src(%dma_wait3A_41 : memref<2048xi32, #tpu.memory_space<hbm>>) dst(%arg9 : memref<2048xi32, #tpu.memory_space<vmem>>)
          tpu.yield
        }) : () -> ()
        %dma_start3A = arith.constant 0 : i32
        %dma_start3A_14 = tpu.memref_slice %arg3[%dma_start3A] : memref<7077896xi32, #tpu.memory_space<hbm>> -> memref<7077896xi32, #tpu.memory_space<hbm>>
        tpu.enqueue_indirect_dma source(%dma_start3A_14 : memref<7077896xi32, #tpu.memory_space<hbm>>) target(%arg10 : memref<2048xi32, #tpu.memory_space<vmem>>) offsets(%arg9 : memref<2048xi32, #tpu.memory_space<vmem>>) semaphore(%arg16 : memref<!tpu.dma_semaphore, #tpu.memory_space<semaphore_mem>>)
        %dma_start3A_15 = arith.constant 0 : i32
        %dma_start3A_16 = tpu.memref_slice %arg4[%dma_start3A_15] : memref<7077896xi32, #tpu.memory_space<hbm>> -> memref<7077896xi32, #tpu.memory_space<hbm>>
        tpu.enqueue_indirect_dma source(%dma_start3A_16 : memref<7077896xi32, #tpu.memory_space<hbm>>) target(%arg11 : memref<2048xi32, #tpu.memory_space<vmem>>) offsets(%arg9 : memref<2048xi32, #tpu.memory_space<vmem>>) semaphore(%arg17 : memref<!tpu.dma_semaphore, #tpu.memory_space<semaphore_mem>>)
        %dma_wait3A = arith.constant 0 : i32
        %dma_wait3A_17 = tpu.memref_slice %arg3[%dma_wait3A] : memref<7077896xi32, #tpu.memory_space<hbm>> -> memref<7077896xi32, #tpu.memory_space<hbm>>
        tpu.wait_indirect_dma semaphore(%arg16 : memref<!tpu.dma_semaphore, #tpu.memory_space<semaphore_mem>>) src(%dma_wait3A_17 : memref<7077896xi32, #tpu.memory_space<hbm>>) dst(%arg10 : memref<2048xi32, #tpu.memory_space<vmem>>)
        %dma_wait3A_18 = arith.constant 0 : i32
        %dma_wait3A_19 = tpu.memref_slice %arg4[%dma_wait3A_18] : memref<7077896xi32, #tpu.memory_space<hbm>> -> memref<7077896xi32, #tpu.memory_space<hbm>>
        tpu.wait_indirect_dma semaphore(%arg17 : memref<!tpu.dma_semaphore, #tpu.memory_space<semaphore_mem>>) src(%dma_wait3A_19 : memref<7077896xi32, #tpu.memory_space<hbm>>) dst(%arg11 : memref<2048xi32, #tpu.memory_space<vmem>>)
        %scan3A_20 = arith.constant 0 : i32
        %scan3A_21 = arith.constant 0 : i32
        %scan3A_22 = arith.constant 128 : i32
        %scan3A_23 = arith.addi %scan3A_21, %scan3A_22 : i32
        %scan3A_24 = arith.constant 1 : i32
        scf.for %scan3A_38 = %scan3A_21 to %scan3A_23 step %scan3A_24  : i32 {
          %mul3A_39 = arith.constant 16 : i32
          %mul3A_40 = arith.muli %scan3A_38, %mul3A_39 : i32
          %add3A_41 = vector.broadcast %mul3A_40 : i32 to vector<16xi32>
          %add3A_42 = arith.addi %add3A_41, %iota3A : vector<16xi32>
          %gather3A = tpu.vector_load_idx %arg10[%add3A_42] : memref<2048xi32, #tpu.memory_space<vmem>>[vector<16xi32>], vector<16xi32>,
          %mul3A_43 = arith.constant 4 : i32
          %mul3A_44 = vector.broadcast %mul3A_43 : i32 to vector<16xi32>
          %mul3A_45 = arith.muli %gather3A, %mul3A_44 : vector<16xi32>
          %gather3A_46 = tpu.vector_load_idx %arg11[%add3A_42] : memref<2048xi32, #tpu.memory_space<vmem>>[vector<16xi32>], vector<16xi32>,
          %mul3A_47 = arith.constant 4 : i32
          %mul3A_48 = vector.broadcast %mul3A_47 : i32 to vector<16xi32>
          %mul3A_49 = arith.muli %gather3A_46, %mul3A_48 : vector<16xi32>
          %mul3A_50 = arith.constant 4 : i32
          %mul3A_51 = vector.broadcast %mul3A_50 : i32 to vector<16xi32>
          %mul3A_52 = arith.muli %add3A_42, %mul3A_51 : vector<16xi32>
          %add3A_53 = arith.constant 0 : i32
          %add3A_54 = vector.broadcast %add3A_53 : i32 to vector<16xi32>
          %add3A_55 = arith.addi %mul3A_52, %add3A_54 : vector<16xi32>
          %add3A_56 = arith.constant 0 : i32
          %add3A_57 = vector.broadcast %add3A_56 : i32 to vector<16xi32>
          %add3A_58 = arith.addi %mul3A_45, %add3A_57 : vector<16xi32>
          tpu.vector_store_idx %arg12[%add3A_55], %add3A_58 : memref<8192xi32, #tpu.memory_space<vmem>>[vector<16xi32>], vector<16xi32>,
          %mul3A_59 = arith.constant 4 : i32
          %mul3A_60 = vector.broadcast %mul3A_59 : i32 to vector<16xi32>
          %mul3A_61 = arith.muli %add3A_42, %mul3A_60 : vector<16xi32>
          %add3A_62 = arith.constant 0 : i32
          %add3A_63 = vector.broadcast %add3A_62 : i32 to vector<16xi32>
          %add3A_64 = arith.addi %mul3A_61, %add3A_63 : vector<16xi32>
          %add3A_65 = arith.constant 0 : i32
          %add3A_66 = vector.broadcast %add3A_65 : i32 to vector<16xi32>
          %add3A_67 = arith.addi %mul3A_49, %add3A_66 : vector<16xi32>
          tpu.vector_store_idx %arg13[%add3A_64], %add3A_67 : memref<8192xi32, #tpu.memory_space<vmem>>[vector<16xi32>], vector<16xi32>,
          %mul3A_68 = arith.constant 4 : i32
          %mul3A_69 = vector.broadcast %mul3A_68 : i32 to vector<16xi32>
          %mul3A_70 = arith.muli %add3A_42, %mul3A_69 : vector<16xi32>
          %add3A_71 = arith.constant 1 : i32
          %add3A_72 = vector.broadcast %add3A_71 : i32 to vector<16xi32>
          %add3A_73 = arith.addi %mul3A_70, %add3A_72 : vector<16xi32>
          %add3A_74 = arith.constant 1 : i32
          %add3A_75 = vector.broadcast %add3A_74 : i32 to vector<16xi32>
          %add3A_76 = arith.addi %mul3A_45, %add3A_75 : vector<16xi32>
          tpu.vector_store_idx %arg12[%add3A_73], %add3A_76 : memref<8192xi32, #tpu.memory_space<vmem>>[vector<16xi32>], vector<16xi32>,
          %mul3A_77 = arith.constant 4 : i32
          %mul3A_78 = vector.broadcast %mul3A_77 : i32 to vector<16xi32>
          %mul3A_79 = arith.muli %add3A_42, %mul3A_78 : vector<16xi32>
          %add3A_80 = arith.constant 1 : i32
          %add3A_81 = vector.broadcast %add3A_80 : i32 to vector<16xi32>
          %add3A_82 = arith.addi %mul3A_79, %add3A_81 : vector<16xi32>
          %add3A_83 = arith.constant 1 : i32
          %add3A_84 = vector.broadcast %add3A_83 : i32 to vector<16xi32>
          %add3A_85 = arith.addi %mul3A_49, %add3A_84 : vector<16xi32>
          tpu.vector_store_idx %arg13[%add3A_82], %add3A_85 : memref<8192xi32, #tpu.memory_space<vmem>>[vector<16xi32>], vector<16xi32>,
          %mul3A_86 = arith.constant 4 : i32
          %mul3A_87 = vector.broadcast %mul3A_86 : i32 to vector<16xi32>
          %mul3A_88 = arith.muli %add3A_42, %mul3A_87 : vector<16xi32>
          %add3A_89 = arith.constant 2 : i32
          %add3A_90 = vector.broadcast %add3A_89 : i32 to vector<16xi32>
          %add3A_91 = arith.addi %mul3A_88, %add3A_90 : vector<16xi32>
          %add3A_92 = arith.constant 2 : i32
          %add3A_93 = vector.broadcast %add3A_92 : i32 to vector<16xi32>
          %add3A_94 = arith.addi %mul3A_45, %add3A_93 : vector<16xi32>
          tpu.vector_store_idx %arg12[%add3A_91], %add3A_94 : memref<8192xi32, #tpu.memory_space<vmem>>[vector<16xi32>], vector<16xi32>,
          %mul3A_95 = arith.constant 4 : i32
          %mul3A_96 = vector.broadcast %mul3A_95 : i32 to vector<16xi32>
          %mul3A_97 = arith.muli %add3A_42, %mul3A_96 : vector<16xi32>
          %add3A_98 = arith.constant 2 : i32
          %add3A_99 = vector.broadcast %add3A_98 : i32 to vector<16xi32>
          %add3A_100 = arith.addi %mul3A_97, %add3A_99 : vector<16xi32>
          %add3A_101 = arith.constant 2 : i32
          %add3A_102 = vector.broadcast %add3A_101 : i32 to vector<16xi32>
          %add3A_103 = arith.addi %mul3A_49, %add3A_102 : vector<16xi32>
          tpu.vector_store_idx %arg13[%add3A_100], %add3A_103 : memref<8192xi32, #tpu.memory_space<vmem>>[vector<16xi32>], vector<16xi32>,
          %mul3A_104 = arith.constant 4 : i32
          %mul3A_105 = vector.broadcast %mul3A_104 : i32 to vector<16xi32>
          %mul3A_106 = arith.muli %add3A_42, %mul3A_105 : vector<16xi32>
          %add3A_107 = arith.constant 3 : i32
          %add3A_108 = vector.broadcast %add3A_107 : i32 to vector<16xi32>
          %add3A_109 = arith.addi %mul3A_106, %add3A_108 : vector<16xi32>
          %add3A_110 = arith.constant 3 : i32
          %add3A_111 = vector.broadcast %add3A_110 : i32 to vector<16xi32>
          %add3A_112 = arith.addi %mul3A_45, %add3A_111 : vector<16xi32>
          tpu.vector_store_idx %arg12[%add3A_109], %add3A_112 : memref<8192xi32, #tpu.memory_space<vmem>>[vector<16xi32>], vector<16xi32>,
          %mul3A_113 = arith.constant 4 : i32
          %mul3A_114 = vector.broadcast %mul3A_113 : i32 to vector<16xi32>
          %mul3A_115 = arith.muli %add3A_42, %mul3A_114 : vector<16xi32>
          %add3A_116 = arith.constant 3 : i32
          %add3A_117 = vector.broadcast %add3A_116 : i32 to vector<16xi32>
          %add3A_118 = arith.addi %mul3A_115, %add3A_117 : vector<16xi32>
          %add3A_119 = arith.constant 3 : i32
          %add3A_120 = vector.broadcast %add3A_119 : i32 to vector<16xi32>
          %add3A_121 = arith.addi %mul3A_49, %add3A_120 : vector<16xi32>
          tpu.vector_store_idx %arg13[%add3A_118], %add3A_121 : memref<8192xi32, #tpu.memory_space<vmem>>[vector<16xi32>], vector<16xi32>,
        }
        %scan3A_25 = arith.constant 128 : i32
        %dma_start3A_26 = arith.constant 0 : i32
        %dma_start3A_27 = tpu.memref_slice %arg5[%dma_start3A_26] : memref<2000032xf32, #tpu.memory_space<hbm>> -> memref<2000032xf32, #tpu.memory_space<hbm>>
        tpu.enqueue_indirect_dma source(%dma_start3A_27 : memref<2000032xf32, #tpu.memory_space<hbm>>) target(%arg14 : memref<8192xf32, #tpu.memory_space<vmem>>) offsets(%arg12 : memref<8192xi32, #tpu.memory_space<vmem>>) semaphore(%arg16 : memref<!tpu.dma_semaphore, #tpu.memory_space<semaphore_mem>>)
        %dma_start3A_28 = arith.constant 0 : i32
        %dma_start3A_29 = tpu.memref_slice %arg6[%dma_start3A_28] : memref<2000032xf32, #tpu.memory_space<hbm>> -> memref<2000032xf32, #tpu.memory_space<hbm>>
        tpu.enqueue_indirect_dma source(%dma_start3A_29 : memref<2000032xf32, #tpu.memory_space<hbm>>) target(%arg15 : memref<8192xf32, #tpu.memory_space<vmem>>) offsets(%arg13 : memref<8192xi32, #tpu.memory_space<vmem>>) semaphore(%arg17 : memref<!tpu.dma_semaphore, #tpu.memory_space<semaphore_mem>>)
        %dma_wait3A_30 = arith.constant 0 : i32
        %dma_wait3A_31 = tpu.memref_slice %arg5[%dma_wait3A_30] : memref<2000032xf32, #tpu.memory_space<hbm>> -> memref<2000032xf32, #tpu.memory_space<hbm>>
        tpu.wait_indirect_dma semaphore(%arg16 : memref<!tpu.dma_semaphore, #tpu.memory_space<semaphore_mem>>) src(%dma_wait3A_31 : memref<2000032xf32, #tpu.memory_space<hbm>>) dst(%arg14 : memref<8192xf32, #tpu.memory_space<vmem>>)
        %dma_wait3A_32 = arith.constant 0 : i32
        %dma_wait3A_33 = tpu.memref_slice %arg6[%dma_wait3A_32] : memref<2000032xf32, #tpu.memory_space<hbm>> -> memref<2000032xf32, #tpu.memory_space<hbm>>
        tpu.wait_indirect_dma semaphore(%arg17 : memref<!tpu.dma_semaphore, #tpu.memory_space<semaphore_mem>>) src(%dma_wait3A_33 : memref<2000032xf32, #tpu.memory_space<hbm>>) dst(%arg15 : memref<8192xf32, #tpu.memory_space<vmem>>)
        %mul3A_34 = arith.constant 4 : i32
        %mul3A_35 = arith.muli %mul3A_13, %mul3A_34 : i32
        "tpu.region"() ({
          %run_scoped3A = tpu.sem_alloc : memref<!tpu.dma_semaphore, #tpu.memory_space<semaphore_mem>>
          %dma_start3A_38 = tpu.memref_slice %arg7[%mul3A_35] : memref<2007040xf32, #tpu.memory_space<hbm>> -> memref<8192xf32, #tpu.memory_space<hbm>>
          %dma_start3A_39 = tpu.memref_slice %arg7[%mul3A_35] : memref<2007040xf32, #tpu.memory_space<hbm>> -> memref<8192xf32, #tpu.memory_space<hbm>>
          tpu.enqueue_dma source(%arg14 : memref<8192xf32, #tpu.memory_space<vmem>>) target(%dma_start3A_39 : memref<8192xf32, #tpu.memory_space<hbm>>) target_semaphore(%run_scoped3A : memref<!tpu.dma_semaphore, #tpu.memory_space<semaphore_mem>>)
          %dma_wait3A_40 = tpu.memref_slice %arg7[%mul3A_35] : memref<2007040xf32, #tpu.memory_space<hbm>> -> memref<8192xf32, #tpu.memory_space<hbm>>
          %dma_wait3A_41 = tpu.memref_slice %arg7[%mul3A_35] : memref<2007040xf32, #tpu.memory_space<hbm>> -> memref<8192xf32, #tpu.memory_space<hbm>>
          tpu.wait_dma2 semaphore(%run_scoped3A : memref<!tpu.dma_semaphore, #tpu.memory_space<semaphore_mem>>) src(%arg14 : memref<8192xf32, #tpu.memory_space<vmem>>) dst(%dma_wait3A_41 : memref<8192xf32, #tpu.memory_space<hbm>>)
          tpu.yield
        }) : () -> ()
        %mul3A_36 = arith.constant 4 : i32
        %mul3A_37 = arith.muli %mul3A_13, %mul3A_36 : i32
        "tpu.region"() ({
          %run_scoped3A = tpu.sem_alloc : memref<!tpu.dma_semaphore, #tpu.memory_space<semaphore_mem>>
          %dma_start3A_38 = tpu.memref_slice %arg8[%mul3A_37] : memref<2007040xf32, #tpu.memory_space<hbm>> -> memref<8192xf32, #tpu.memory_space<hbm>>
          %dma_start3A_39 = tpu.memref_slice %arg8[%mul3A_37] : memref<2007040xf32, #tpu.memory_space<hbm>> -> memref<8192xf32, #tpu.memory_space<hbm>>
          tpu.enqueue_dma source(%arg15 : memref<8192xf32, #tpu.memory_space<vmem>>) target(%dma_start3A_39 : memref<8192xf32, #tpu.memory_space<hbm>>) target_semaphore(%run_scoped3A : memref<!tpu.dma_semaphore, #tpu.memory_space<semaphore_mem>>)
          %dma_wait3A_40 = tpu.memref_slice %arg8[%mul3A_37] : memref<2007040xf32, #tpu.memory_space<hbm>> -> memref<8192xf32, #tpu.memory_space<hbm>>
          %dma_wait3A_41 = tpu.memref_slice %arg8[%mul3A_37] : memref<2007040xf32, #tpu.memory_space<hbm>> -> memref<8192xf32, #tpu.memory_space<hbm>>
          tpu.wait_dma2 semaphore(%run_scoped3A : memref<!tpu.dma_semaphore, #tpu.memory_space<semaphore_mem>>) src(%arg15 : memref<8192xf32, #tpu.memory_space<vmem>>) dst(%dma_wait3A_41 : memref<8192xf32, #tpu.memory_space<hbm>>)
          tpu.yield
        }) : () -> ()
      } else {
      }
    }
    %scan3A_5 = arith.constant 8 : i32
    return
  }
}

</mosaic_0001>

<sc_bundles>
// kernel: kernel.4.cloned.1.call-start
scs
__scs_entry_jumppad:
0x0: {  	(pc) =	sbr.rel $0x88, $3  }
0x1: {  	(tag) =	ssettag $0x0;
	lr =	simm.s32 $0x1  }
0x2: {  	[smem:$0x3F9C] =	sst lr;
	_ =	strace $0xD0000000  }
0x3: {  	_ = 	snop  }
0x4: {  	_ = 	snop  }
0x5: {  	_ = 	snop  }
0x6: {  	_ = 	snop  }
0x7: {  	_ = 	snop  }
__scs_overlays_trampoline_lowered:
0x8: {  	[smem:$0x3FAB] =	sst s0  }
0x9: {  	[smem:$0x3FAC] =	sst s1  }
0xa: {  	[smem:$0x3FAD] =	sst s2  }
0xb: {  	[smem:$0x3FAE] =	sst s3  }
0xc: {  	[smem:$0x3FAF] =	sst s4  }
0xd: {  	[smem:$0x3FB0] =	sst s5  }
0xe: {  	[smem:$0x3FB1] =	sst s6  }
0xf: {  	[smem:$0x3FB2] =	sst s7  }
0x10: {  	[smem:$0x3FB3] =	sst s8  }
0x11: {  	[smem:$0x3FB4] =	sst s9;
	s0 =	simm.s32 @!p0 $0x0  }
0x12: {  	s1 =	sld [smem:$0x3F9A];
	s0 =	simm.s32 @p0 $0x1  }
0x13: {  	[smem:$0x3FB5] =	sst s0;
	s0 =	simm.s32 @!p1 $0x0  }
0x14: {  	s2 =	sld [smem:$0x3F99];
	s0 =	simm.s32 @p1 $0x1  }
0x15: {  	[smem:$0x3FB6] =	sst s0;
	s0 =	simm.s32 @!p2 $0x0  }
0x16: {  	s3 =	sld [smem:$0x3FDB];
	s0 =	simm.s32 @p2 $0x1  }
0x17: {  	s4 =	simm.s32 $0x1BF5;
	[smem:$0x3FB8] =	sst s0  }
0x18: {  	s0 =	sld [smem:$0x3F9B];
	_ =	swait.ge [sflag:s4], $0x0  }
0x19: {  	s7 =	sld [smem:$0x3F9C]  }
0x1a: {  	s8 =	sadd.s32 $0xFFFFE003, lr  }
0x1b: {  	s9 =	sadd.s32 $0xFFFFFEF7, lr;
	s5 =	simm.s32 $0xFFFFFFFF;
	p2 =	slt.u32 s8, $0xFFFFF086  }
0x1c: {  	p1 =	slt.u32 s9, $0xF7A;
	s5 =	simm.s32 @!p2 $0x0  }
0x1d: {  	s5 =	simm.s32 @p1 $0x1;
	p0 =	seq.s32 s7, s2  }
0x1e: {  	s7 =	smul.u32 @!p0 $0xF7A, s2;
	p2 =	seq.s32 @!p0 s5, $0x0  }
0x1f: {  	s9 =	smul.u32 $0xF7A, s1;
	s8 =	simm.s32 @!p0 $0x1BF5;
	p2 =	por !p2, p0  }
0x20: {  	[sflag:s8] =	ssyncset.s32 @!p0 $0xFFFFF086;
	s6 =	sadd.s32 @!p0 s3, s7;
	s7 =	simm.s32 @!p0 $0x108  }
0x21: {  	s3 =	sadd.s32 s3, s9;
	s6 =	sadd.s32 @!p0 $0x88, s6;
	s7 =	simm.s32 @p2 $0x1082  }
0x22: {  	[simem:s7], [sflag:s8] =	dma.local @!p0 [hbm:s6], $0xF7A  }
0x23: {  	s9 =	sor.u32 $0xD0000000, s2;
	s6 =	simm.s32 $0x108;
	_ =	swait.ge @!p0 [sflag:s8], $0x0  }
0x24: {  	s3 =	sadd.s32 $0x88, s3;
	s6 =	simm.s32 @!p1 $0x1082;
	[sflag:s4] =	ssyncset.s32 $0xFFFFF086  }
0x25: {  	[simem:s6], [sflag:s4] =	dma.local [hbm:s3], $0xF7A  }
0x26: {  	[smem:$0x3F9C] =	sst s1;
	(tag) =	ssettag s2;
	_ =	strace s9  }
0x27: {  	s1 =	sld [smem:$0x3FAC]  }
0x28: {  	s2 =	sld [smem:$0x3FAD]  }
0x29: {  	s4 =	sld [smem:$0x3FAF]  }
0x2a: {  	p0 =	seq.s32 s5, $0x0;
	s5 =	sld [smem:$0x3FB0]  }
0x2b: {  	s6 =	sld [smem:$0x3FB1]  }
0x2c: {  	s7 =	sld [smem:$0x3FB2]  }
0x2d: {  	s3 =	simm.s32 $0x108;
	s8 =	sld [smem:$0x3FB3]  }
0x2e: {  	s3 =	simm.s32 @!p0 $0x1082;
	s9 =	sld [smem:$0x3FB4]  }
0x2f: {  	lr =	sadd.s32 s0, s3;
	s0 =	sld [smem:$0x3FAB]  }
0x30: {  	s3 =	sld [smem:$0x3FAE]  }
0x31: {  	[smem:$0x3FB7] =	sst s10  }
0x32: {  	s10 =	sld [smem:$0x3FB5];
	_ =	sdelay $0x3  }
0x33: {  	p0 =	seq.s32 s10, $0x1;
	s10 =	sld [smem:$0x3FB7];
	_ =	sdelay $0x3  }
0x34: {  	[smem:$0x3FB7] =	sst s10  }
0x35: {  	s10 =	sld [smem:$0x3FB6];
	_ =	sdelay $0x3  }
0x36: {  	p1 =	seq.s32 s10, $0x1;
	s10 =	sld [smem:$0x3FB7];
	_ =	sdelay $0x3  }
0x37: {  	[smem:$0x3FB7] =	sst s10  }
0x38: {  	s10 =	sld [smem:$0x3FB8]  }
0x39: {  	_ = 	snop;
	(pc) =	sbr.ind lr, $3  }
0x3a: {  	_ = 	snop  }
0x3b: {  	_ = 	snop  }
0x3c: {  	p2 =	seq.s32 s10, $0x1;
	s10 =	sld [smem:$0x3FB7]  }
0x3d: {  	_ =	shalt  }
0x3e: {  	_ =	shalt  }
0x3f: {  	_ =	shalt  }
0x40: {  	_ =	shalt  }
0x41: {  	_ =	shalt  }
0x42: {  	_ =	shalt  }
0x43: {  	_ =	shalt  }
0x44: {  	_ =	shalt  }
0x45: {  	_ =	shalt  }
0x46: {  	_ =	shalt  }
0x47: {  	_ =	shalt  }
0x48: {  	_ =	shalt  }
0x49: {  	_ =	shalt  }
0x4a: {  	_ =	shalt  }
0x4b: {  	_ =	shalt  }
0x4c: {  	_ =	shalt  }
0x4d: {  	_ =	shalt  }
0x4e: {  	_ =	shalt  }
0x4f: {  	_ =	shalt  }
0x50: {  	_ =	shalt  }
0x51: {  	_ =	shalt  }
0x52: {  	_ =	shalt  }
0x53: {  	_ =	shalt  }
0x54: {  	_ =	shalt  }
0x55: {  	_ =	shalt  }
0x56: {  	_ =	shalt  }
0x57: {  	_ =	shalt  }
0x58: {  	_ =	shalt  }
0x59: {  	_ =	shalt  }
0x5a: {  	_ =	shalt  }
0x5b: {  	_ =	shalt  }
0x5c: {  	_ =	shalt  }
0x5d: {  	_ =	shalt  }
0x5e: {  	_ =	shalt  }
0x5f: {  	_ =	shalt  }
0x60: {  	_ =	shalt  }
0x61: {  	_ =	shalt  }
0x62: {  	_ =	shalt  }
0x63: {  	_ =	shalt  }
0x64: {  	_ =	shalt  }
0x65: {  	_ =	shalt  }
0x66: {  	_ =	shalt  }
0x67: {  	_ =	shalt  }
0x68: {  	_ =	shalt  }
0x69: {  	_ =	shalt  }
0x6a: {  	_ =	shalt  }
0x6b: {  	_ =	shalt  }
0x6c: {  	_ =	shalt  }
0x6d: {  	_ =	shalt  }
0x6e: {  	_ =	shalt  }
0x6f: {  	_ =	shalt  }
0x70: {  	_ =	shalt  }
0x71: {  	_ =	shalt  }
0x72: {  	_ =	shalt  }
0x73: {  	_ =	shalt  }
0x74: {  	_ =	shalt  }
0x75: {  	_ =	shalt  }
0x76: {  	_ =	shalt  }
0x77: {  	_ =	shalt  }
0x78: {  	_ =	shalt  }
0x79: {  	_ =	shalt  }
0x7a: {  	_ =	shalt  }
0x7b: {  	_ =	shalt  }
0x7c: {  	_ =	shalt  }
0x7d: {  	_ =	shalt  }
0x7e: {  	_ =	shalt  }
0x7f: {  	_ =	shalt  }
0x80: {  	_ =	shalt  }
0x81: {  	_ =	shalt  }
0x82: {  	_ =	shalt  }
0x83: {  	_ =	shalt  }
0x84: {  	_ =	shalt  }
0x85: {  	_ =	shalt  }
0x86: {  	_ =	shalt  }
0x87: {  	_ =	shalt  }
.Lfunc_end0:
.L_simem_size_0:
called_computation_lowered:
.L_overlay_start_0:
0x88: {  	s2 =	sld [smem:$0x3FD9]  }
0x89: {  	s3 =	sld [smem:$0x3FFE];
	_ =	sdelay $0x1  }
0x8a: {  	s1 =	srdreg.scid  }
0x8b: {  	s0 =	sand.u32 $0x1, s1  }
0x8c: {  	s17 =	sshll.u32 s0, $0xA;
	s2 =	sadd.s32 s3, s2  }
0x8d: {  	s2 =	sadd.s32 s2, s17  }
0x8e: {  	[smem:$0x3FC3] =	sst s2  }
0x8f: {  	_ = 	snop  }
0x90: {  	s2 =	sld [smem:$0x3FD0];
	(tm) =	ssettm $0x1  }
0x91: {  	s18 =	sld [smem:$0x3FFB];
	_ =	sdelay $0x3  }
0x92: {  	_ =	strace s18  }
0x93: {  	s3 =	sld [smem:$0x3FFC];
	_ =	sdelay $0x3  }
0x94: {  	_ =	strace s3  }
0x95: {  	s3 =	sld [smem:$0x3FFD];
	_ =	sdelay $0x3  }
0x96: {  	_ =	strace s3  }
0x97: {  	_ =	strace $0x8FFFFFFF  }
0x98: {  	s19 =	sld [smem:$0x3FDB];
	_ =	sdelay $0x1  }
0x99: {  	s4 =	simm.s32 $_scs_section_size  }
0x9a: {  	s5 =	simm.s32 $_size__tile_overlayer_lowered;
	s6 =	simm.s32 $_tile_overlayer_lowered  }
0x9b: {  	s22 =	simm.s32 $0x1BFF;
	s21 =	sshll.u32 s6, $0x1;
	s3 =	sadd.s32 s4, s19  }
0x9c: {  	s7 =	simm.s32 $0x0;
	s20 =	sshll.u32 s5, $0x1;
	s5 =	sadd.s32 s21, s3  }
0x9d: {  	[timem:s7], [sflag:s22] =	dma.local [hbm:s5], s20  }
0x9e: {  	_ =	swait.ge [sflag:s22], s20  }
0x9f: {  	s4 =	ssub.s32 $0x0, s20;
	[sflag:s22] =	ssyncset.done $0x0  }
0xa0: {  	[sflag:s22] =	ssyncadd.s32 s4;
	_ =	sdelay $0x1  }
0xa1: {  	s23 =	simm.s32 $0x1B8B  }
0xa2: {  	_ =	swait.ge [sflag:s23], $0x1  }
0xa3: {  	[sflag:s23] =	ssyncset.done $0x0  }
0xa4: {  	s25 =	simm.s32 $0x1B8E;
	s24 =	sld [smem:$0x3FFE];
	[sflag:s23] =	ssyncadd.s32 $0xFFFFFFFF  }
0xa5: {  	s26 =	simm.s32 $execute0_lowered;
	[smem:$0x3FD2] =	sst s25  }
0xa6: {  	s5 =	sshll.u32 s26, $0x1;
	_ =	strace $0x80000046;
	[dreg:$0x1] =	wrdreg $0xFFFFFFFF  }
0xa7: {  	s28 =	simm.s32 $_size_execute0_lowered;
	s3 =	sadd.s32 s3, s5;
	[dreg:$0x0] =	wrdreg $0x0  }
0xa8: {  	s5 =	sshll.u32 s28, $0x1;
	[dreg:$0x2] =	wrdreg s3  }
0xa9: {  	[dreg:$0x3] =	wrdreg s5  }
0xaa: {  	[dreg:$0x4] =	wrdreg $0xC0  }
0xab: {  	_ =	task [dreg:s7], $0x5FFFF  }
0xac: {  	[dreg:$0x1] =	wrdreg $0xFFFFFFFF  }
0xad: {  	[dreg:$0x0] =	wrdreg $0x60  }
0xae: {  	[dreg:$0x2] =	wrdreg s24  }
0xaf: {  	[dreg:$0x3] =	wrdreg s2  }
0xb0: {  	[dreg:$0x4] =	wrdreg $0x9  }
0xb1: {  	_ =	task.clear_ibuf [dreg:s7], $0x5FFFF;
	_ =	strace $0x90000046  }
0xb2: {  	s29 =	simm.s32 $0x9;
	_ =	strace $0x80000048  }
0xb3: {  	_ =	swait.ge [sflag:s29], $0x1  }
0xb4: {  	[sflag:s29] =	ssyncadd.s32 $0xFFFFFFFF  }
0xb5: {  	_ =	strace $0x90000048  }
0xb6: {  	_ =	sfence  }
0xb7: {  	s30 =	sld [smem:$0x0];
	_ =	sdelay $0x2  }
0xb8: {  	s31 =	sshll.u32 s1, $0xD;
	s1 =	sshrl.u32 s1, $0x2  }
0xb9: {  	s3 =	sand.u32 $0x4000, s31;
	s1 =	sadd.s32 s1, s30  }
0xba: {  	s0 =	sor.u32 s3, s0;
	s1 =	sshll.u32 s1, $0x11  }
0xbb: {  	s0 =	sor.u32 s1, s0  }
0xbc: {  	s0 =	sadd.s32 $0x8F2B, s0  }
0xbd: {  	[sflag:s0] =	ssyncadd.remote.s32 $0x1  }
0xbe: {  	_ =	sfence.sel $0xFFFF  }
0xbf: {  	[dreg:$0x0] =	wrdreg $0xFFFFFFFF;
	(pc) =	sbr.abs _section_cstart, $3  }
0xc0: {  	[dreg:$0x1] =	wrdreg $0xFFFFFFFF  }
0xc1: {  	_ =	task.clear_ibuf [dreg:s7], $0x2FFFF;
	_ =	strace $0x9FFFFFFF  }
0xc2: {  	(tm) =	ssettm $0x7FFFFFFF  }
0xc3: {  	_ =	shalt  }
tec
execute0_lowered:
.L_overlay_start_1:
0x0: {  	(tag) =	ssettag $0x1  }
0x1: {  	s9 =	rddreg [dreg:$0x0]  }
0x2: {  	s1 =	rddreg [dreg:$0x1]  }
0x3: {  	s0 =	rddreg [dreg:$0x2]  }
0x4: {  	s2 =	simm.s32 $0x0;
	s8 =	srdreg.scid;
	s3 =	stileid.u32  }
0x5: {  	s14 =	simm.s32 $0x810;
	[smem:$0x7FF] =	sst s2;
	s4 =	sadd.s32 $0x1A00, s9  }
0x6: {  	s5 =	sadd.s32 $0x11000, s9;
	s6 =	sadd.s32 $0x11800, s9;
	s7 =	sadd.s32 $0xE9A00, s9  }
0x7: {  	s8 =	sand.u32 $0x1, s8;
	s10 =	sshll.u32 s3, $0x1;
	s30 =	smul.u32 $0xD8000, s3  }
0x8: {  	p0 =	slt.u32 s3, $0x8;
	_ =	strace $0x80000047;
	s11 =	ssub.s32 $0x2, s8  }
0x9: {  	s17 =	sor.u32 s8, s10;
	s13 =	smul.u32 $0x6C000, s8;
	s8 =	sadd.s32 $0x1C1A00, s9  }
0xa: {  	s9 =	sadd.s32 $0xE9800, s9;
	s12 =	sshrl.u32 s11, $0x1;
	s16 =	smul.u32 $0xFFF94000, s17  }
.Ltmp0:
0xb: {  	s18 =	sadd.s32 $0xFFFFFFF0, s17;
	p1 =	sne.s32 s17, $0xF;
	(pc) =	sbr.rel .LBB2_1-.Ltmp0, $4  }
0xc: {  	s17 =	simm.s32 $0x1900;
	s11 =	ssub.s32 s11, s12;
	s15 =	smul.u32 $0x6C000, s18  }
0xd: {  	v2 =	vlaneseq.u32;
	s31 =	sadd.s32 s13, s30;
	s12 =	simm.s32 $0x1;
	s13 =	simm.s32 $0x800  }
0xe: {  	v5 =	vimm.s32 $0x6C0001;
	v3 =	vadd.s32 $0x801, v2;
	p2 =	seq.s32 s18, $0xF;
	s18 =	simm.s32 $0x0;
	s10 =	smax.u32 s11, $0x1  }
0xf: {  	v4 =	vor.u32 $0x800, v2;
	s11 =	sadd.s32 $0xFF940000, s31;
	v1 =	vmov s16;
	s16 =	simm.s32 $0x5900;
	v0 =	vmov s15;
	s15 =	simm.s32 $0x1080  }
.LBB2_39:
0x10: {  	s18 =	sadd.s32 $0x1, s18  }
0x11: {  	p3 =	sne.s32 s18, s10  }
.Ltmp1:
0x12: {  	_ = 	snop;
	(pc) =	sbr.rel @!p3 .LBB2_40-.Ltmp1, $1  }
0x13: {  	_ =	sdelay $0x3  }
.LBB2_1:
.Ltmp2:
0x14: {  	(pc) =	sbr.rel @p0 .LBB2_2-.Ltmp2, $2  }
0x15: {  	_ =	sdelay $0x2  }
0x16: {  	s19 =	simm.s32 $0x0;
	s20 =	simm.s32 $0x0  }
0x17: {  	s19 =	simm.s32 $0x0  }
0x18: {  	[tilespmem:s17], [sflag:$0x1] =	stream.linear.gather [hbm4b:s5+s19], $0x4000, $0x38;
	[tilespmem:$0x6180] =	vst v63  }
0x19: {  	s31 =	sadd.s32 $0x0, s11;
	_ =	swait.ge [sflag:s12], $0x4000  }
0x1a: {  	s19 =	sshrl.u32 s31, $0x3;
	[sflag:s12] =	ssyncset.done $0x0  }
0x1b: {  	s19 =	sadd.s32 s7, s19;
	[sflag:s12] =	ssyncadd.s32 $0xFFFFC000  }
0x1c: {  	[hbm4b:s19+s2] =	stream.linear.scatter [tilespmem:s17], [sflag:$0x1], $0x4000, $0x38;
	[tilespmem:$0x6180] =	vst v63  }
0x1d: {  	s19 =	simm.s32 $0x4000;
	_ =	swait.ge [sflag:s12], $0x4000  }
.LBB2_20:
0x1e: {  	s20 =	sadd.s32 s19, s11;
	[sflag:s12] =	ssyncset.done $0x0;
	p3 =	sne.s32 s19, $0x68000  }
.Ltmp3:
0x1f: {  	s20 =	sshrl.u32 s20, $0x3;
	[sflag:s12] =	ssyncadd.s32 $0xFFFFC000;
	(pc) =	sbr.rel @p3 .LBB2_20-.Ltmp3, $4  }
0x20: {  	s19 =	sadd.s32 $0x4000, s19;
	s20 =	sadd.s32 s7, s20  }
0x21: {  	[hbm4b:s20+s2] =	stream.linear.scatter [tilespmem:s17], [sflag:$0x1], $0x4000, $0x38;
	[tilespmem:$0x6180] =	vst v63  }
0x22: {  	_ = 	snop  }
0x23: {  	_ =	swait.ge [sflag:s12], $0x4000  }
0x24: {  	[sflag:s12] =	ssyncset.done $0x0  }
0x25: {  	s19 =	simm.s32 @p2 $0x0;
	s20 =	simm.s32 @p2 $0x1900;
	[sflag:s12] =	ssyncadd.s32 $0xFFFFC000  }
0x26: {  	[hbm4b:s8+s19] =	stream.linear.scatter @p2 [tilespmem:s20], [sflag:$0x1], $0x8, $0x38;
	[tilespmem:$0x6180] =	vst v63  }
.Ltmp4:
0x27: {  	_ = 	snop;
	(pc) =	sbr.rel .LBB2_22-.Ltmp4, $4  }
0x28: {  	s19 =	simm.s32 @p2 $0x1  }
0x29: {  	_ =	swait.ge @p2 [sflag:s19], $0x8  }
0x2a: {  	s21 =	simm.s32 $0x0;
	[sflag:s19] =	ssyncset.done @p2 $0x0  }
0x2b: {  	s20 =	simm.s32 $0x0;
	[sflag:s19] =	ssyncadd.s32 @p2 $0xFFFFFFF8;
	s19 =	simm.s32 $0x0  }
.LBB2_10:
0x2c: {  	s20 =	sadd.s32 $0x1, s20  }
0x2d: {  	p3 =	seq.s32 s20, $0xF5  }
.Ltmp5:
0x2e: {  	_ = 	snop;
	(pc) =	sbr.rel @p3 .LBB2_11-.Ltmp5, $1  }
0x2f: {  	_ =	sdelay $0x3  }
.LBB2_2:
0x30: {  	s21 =	sshll.u32 s20, $0x8  }
.Ltmp6:
0x31: {  	s22 =	sadd.s32 s4, s21;
	s21 =	simm.s32 $0x0;
	(pc) =	sbr.rel .LBB2_3-.Ltmp6, $4  }
0x32: {  	[tilespmem:s21], [sflag:$0x1] =	stream.linear.gather [hbm4b:s22+s21], $0x800, $0x38;
	[tilespmem:$0x6180] =	vst v63  }
0x33: {  	_ =	swait.ge [sflag:s12], $0x800  }
0x34: {  	[sflag:s12] =	ssyncset.done $0x0  }
0x35: {  	s22 =	sshll.u32 s20, $0xB;
	[sflag:s12] =	ssyncadd.s32 $0xFFFFF800  }
.LBB2_8:
0x36: {  	v8 =	vld [tilespmem:s24+$0x5900];
	[tilespmem:s23+$0x800] =	vst v7  }
0x37: {  	v7 =	vld [tilespmem:s24+$0x800];
	_ =	sdelay $0x3  }
0x38: {  	vm0 =	vlt.s32 v8, v6  }
0x39: {  	v6 =	vnsel vm0, $0x6C0001, v7  }
0x3a: {  	[tilespmem:s24+$0x800] =	vst v6  }
0x3b: {  	[hbm4b:s6+s14] =	stream.indirect.scatter [tilespmem:s15], [sflag:$0x1], $0x1, s13, s14, $0xb8;
	[tilespmem:$0x6180] =	vst v63  }
0x3c: {  	_ =	swait.ge [sflag:s12], $0x810  }
0x3d: {  	[sflag:s12] =	ssyncset.done $0x0  }
0x3e: {  	[sflag:s12] =	ssyncadd.s32 $0xFFFFF7F0  }
.LBB2_9:
0x3f: {  	s21 =	sadd.s32 $0x1, s21  }
0x40: {  	p4 =	sne.s32 s21, $0x80  }
.Ltmp7:
0x41: {  	_ = 	snop;
	(pc) =	sbr.rel @!p4 .LBB2_10-.Ltmp7, $3  }
0x42: {  	_ =	sdelay $0x1  }
0x43: {  	p3 =	sgt.s32 s19, $0x7FF;
	s23 =	sadd.s32 $0xFFFFF800, s19  }
0x44: {  	s19 =	smov.u32 @p3 s23  }
.LBB2_3:
0x45: {  	s23 =	sshll.u32 s21, $0x4  }
0x46: {  	v6 =	vld [tilespmem:s23+$0x0];
	_ =	sdelay $0x4  }
0x47: {  	v7 =	vadd.s32 v1, v6  }
0x48: {  	vm0 =	vlt.u32 v7, $0x6C000  }
0x49: {  	v7 =	vmpcnt.ones.xlane vm0;
	_ =	sdelay $0x1  }
0x4a: {  	v7 =	vxor.u32 $0x80000000, v7  }
0x4b: {  	(xrf0) =	vmax.scan.msk.u32 $0xffff, v7;
	_ =	sdelay $0x5  }
0x4c: {  	v7, _, _ =	vpop (xrf0)  }
0x4d: {  	(v2sf) =	vpush v7, $0xF;
	_ =	sdelay $0xe  }
0x4e: {  	s23 =	sadd.s32 s22, s23;
	s30 =	spop (v2sf)  }
0x4f: {  	[tilespmem:s19+$0x800] =	vst.msk vm0, v6;
	v7 =	vor.u32 s23, v2;
	s31 =	sadd.s32 s30, s19  }
0x50: {  	[tilespmem:s19+$0x1080] =	vst.msk vm0, v7;
	s19 =	sadd.s32 $0x80000000, s31  }
0x51: {  	p3 =	slt.s32 s19, $0x800  }
.Ltmp8:
0x52: {  	_ = 	snop;
	(pc) =	sbr.rel @p3 .LBB2_9-.Ltmp8, $1  }
0x53: {  	_ =	sdelay $0x3  }
0x54: {  	v6 =	vmov s19  }
0x55: {  	vm0 =	vlt.s32 v6, v3;
	_ =	sdelay $0x5  }
0x56: {  	[tilespmem:v4+s13+$0x0] =	vst.idx.msk vm0, v5  }
0x57: {  	[hbm4b:s6+s14] =	stream.indirect.scatter [tilespmem:s15], [sflag:$0x1], $0x1, s13, s14, $0xb8;
	[tilespmem:$0x6180] =	vst v63  }
0x58: {  	_ =	swait.ge [sflag:s12], $0x810  }
0x59: {  	[sflag:s12] =	ssyncset.done $0x0  }
0x5a: {  	[sflag:s12] =	ssyncadd.s32 $0xFFFFF7F0  }
0x5b: {  	v6 =	vld [tilespmem:$0x1000]  }
0x5c: {  	v7 =	vld [tilespmem:$0x1880];
	_ =	sdelay $0x3  }
0x5d: {  	[tilespmem:$0x800] =	vst v6  }
0x5e: {  	[tilespmem:$0x1080] =	vst v7  }
0x5f: {  	[tilespmem:s16], [sflag:$0x1] =	stream.indirect.gather [hbm4b:s6+s14], $0x1, s13, s14, $0xb8;
	[tilespmem:$0x6180] =	vst v63  }
0x60: {  	_ =	swait.ge [sflag:s12], $0x810  }
0x61: {  	[sflag:s12] =	ssyncset.done $0x0  }
0x62: {  	s23 =	simm.s32 $0x0;
	[sflag:s12] =	ssyncadd.s32 $0xFFFFF7F0  }
0x63: {  	v6 =	vld [tilespmem:s23+$0x1080]  }
0x64: {  	v7 =	vld [tilespmem:s23+$0x5900]  }
0x65: {  	v8 =	vld [tilespmem:s23+$0x800];
	_ =	sdelay $0x3  }
0x66: {  	s24 =	simm.s32 $0x10;
	vm15 =	vlt.s32 v7, v6  }
0x67: {  	s25 =	simm.s32 $0x80;
	v6 =	vld [tilespmem:s24+$0x1080];
	v7 =	vnsel vm15, $0x6C0001, v8  }
.LBB2_5:
0x68: {  	p3 =	sne.s32 s25, $0x2000;
	v8 =	vld [tilespmem:s24+$0x5900];
	[tilespmem:s23+$0x800] =	vst v7;
	s23 =	smov.u32 s24  }
0x69: {  	v7 =	vld [tilespmem:s23+$0x800]  }
.Ltmp9:
0x6a: {  	(pc) =	sbr.rel @p3 .LBB2_5-.Ltmp9, $3  }
0x6b: {  	_ =	sdelay $0x1  }
0x6c: {  	s24 =	sshra.s32 s25, $0x2;
	vm0 =	vlt.s32 v8, v6  }
0x6d: {  	s25 =	sadd.s32 $0x40, s25;
	v6 =	vld [tilespmem:s24+$0x1080];
	v7 =	vnsel vm0, $0x6C0001, v7  }
0x6e: {  	v8 =	vld [tilespmem:s24+$0x5900];
	[tilespmem:s23+$0x800] =	vst v7  }
0x6f: {  	v7 =	vld [tilespmem:s24+$0x800];
	_ =	sdelay $0x3  }
0x70: {  	vm0 =	vlt.s32 v8, v6  }
0x71: {  	v6 =	vnsel vm0, $0x6C0001, v7  }
0x72: {  	[tilespmem:s24+$0x800] =	vst v6  }
0x73: {  	[hbm4b:s6+s14] =	stream.indirect.scatter [tilespmem:s15], [sflag:$0x1], $0x1, s13, s14, $0xb8;
	[tilespmem:$0x6180] =	vst v63  }
0x74: {  	_ =	swait.ge [sflag:s12], $0x810  }
0x75: {  	[sflag:s12] =	ssyncset.done $0x0  }
0x76: {  	[sflag:s12] =	ssyncadd.s32 $0xFFFFF7F0  }
0x77: {  	[tilespmem:s16], [sflag:$0x1] =	stream.indirect.gather [hbm4b:s6+s14], $0x1, s13, s14, $0xb8;
	[tilespmem:$0x6180] =	vst v63  }
0x78: {  	_ =	swait.ge [sflag:s12], $0x810  }
0x79: {  	[sflag:s12] =	ssyncset.done $0x0  }
0x7a: {  	s23 =	simm.s32 $0x0;
	[sflag:s12] =	ssyncadd.s32 $0xFFFFF7F0  }
0x7b: {  	v6 =	vld [tilespmem:s23+$0x1080]  }
0x7c: {  	v7 =	vld [tilespmem:s23+$0x5900]  }
0x7d: {  	v8 =	vld [tilespmem:s23+$0x800];
	_ =	sdelay $0x3  }
0x7e: {  	s24 =	simm.s32 $0x10;
	vm15 =	vlt.s32 v7, v6  }
0x7f: {  	s25 =	simm.s32 $0x80;
	v6 =	vld [tilespmem:s24+$0x1080];
	v7 =	vnsel vm15, $0x6C0001, v8  }
.LBB2_7:
0x80: {  	p3 =	sne.s32 s25, $0x2000;
	v8 =	vld [tilespmem:s24+$0x5900];
	[tilespmem:s23+$0x800] =	vst v7;
	s23 =	smov.u32 s24  }
0x81: {  	v7 =	vld [tilespmem:s23+$0x800]  }
.Ltmp10:
0x82: {  	(pc) =	sbr.rel @p3 .LBB2_7-.Ltmp10, $3  }
0x83: {  	_ =	sdelay $0x1  }
0x84: {  	s24 =	sshra.s32 s25, $0x2;
	vm0 =	vlt.s32 v8, v6  }
0x85: {  	s25 =	sadd.s32 $0x40, s25;
	v6 =	vld [tilespmem:s24+$0x1080];
	v7 =	vnsel vm0, $0x6C0001, v7  }
.Ltmp11:
0x86: {  	_ = 	snop;
	(pc) =	sbr.rel .LBB2_8-.Ltmp11, $1  }
0x87: {  	_ =	sdelay $0x3  }
.LBB2_30:
0x88: {  	s21 =	sadd.s32 $0x1, s21  }
0x89: {  	p3 =	seq.s32 s21, $0xF5  }
.Ltmp12:
0x8a: {  	_ = 	snop;
	(pc) =	sbr.rel @p3 .LBB2_31-.Ltmp12, $1  }
0x8b: {  	_ =	sdelay $0x3  }
.LBB2_22:
0x8c: {  	s22 =	sshll.u32 s21, $0x8  }
.Ltmp13:
0x8d: {  	s22 =	sadd.s32 s1, s22;
	(pc) =	sbr.rel .LBB2_23-.Ltmp13, $4  }
0x8e: {  	[tilespmem:s20], [sflag:$0x1] =	stream.linear.gather [hbm4b:s22+s20], $0x800, $0x38;
	[tilespmem:$0x6180] =	vst v63  }
0x8f: {  	_ =	swait.ge [sflag:s12], $0x800  }
0x90: {  	[sflag:s12] =	ssyncset.done $0x0  }
0x91: {  	s23 =	simm.s32 $0x0;
	s22 =	sshll.u32 s21, $0xB;
	[sflag:s12] =	ssyncadd.s32 $0xFFFFF800  }
.LBB2_28:
0x92: {  	v8 =	vld [tilespmem:s25+$0x5900];
	[tilespmem:s24+$0x800] =	vst v7  }
0x93: {  	v7 =	vld [tilespmem:s25+$0x800];
	_ =	sdelay $0x3  }
0x94: {  	vm0 =	vlt.s32 v8, v6  }
0x95: {  	v6 =	vnsel vm0, $0x6C0001, v7  }
0x96: {  	[tilespmem:s25+$0x800] =	vst v6  }
0x97: {  	[hbm4b:s7+s14] =	stream.indirect.scatter [tilespmem:s15], [sflag:$0x1], $0x1, s13, s14, $0xb8;
	[tilespmem:$0x6180] =	vst v63  }
0x98: {  	_ =	swait.ge [sflag:s12], $0x810  }
0x99: {  	[sflag:s12] =	ssyncset.done $0x0  }
0x9a: {  	[sflag:s12] =	ssyncadd.s32 $0xFFFFF7F0  }
.LBB2_29:
0x9b: {  	s23 =	sadd.s32 $0x1, s23  }
0x9c: {  	p4 =	sne.s32 s23, $0x80  }
.Ltmp14:
0x9d: {  	_ = 	snop;
	(pc) =	sbr.rel @!p4 .LBB2_30-.Ltmp14, $3  }
0x9e: {  	_ =	sdelay $0x1  }
0x9f: {  	p3 =	sgt.s32 s19, $0x7FF;
	s24 =	sadd.s32 $0xFFFFF800, s19  }
0xa0: {  	s19 =	smov.u32 @p3 s24  }
.LBB2_23:
0xa1: {  	s24 =	sshll.u32 s23, $0x4  }
0xa2: {  	v6 =	vld [tilespmem:s24+$0x0];
	_ =	sdelay $0x4  }
0xa3: {  	v7 =	vsub.s32 v6, v0  }
0xa4: {  	vm0 =	vlt.u32 v7, $0x6C000  }
0xa5: {  	v7 =	vmpcnt.ones.xlane vm0;
	_ =	sdelay $0x1  }
0xa6: {  	v7 =	vxor.u32 $0x80000000, v7  }
0xa7: {  	(xrf0) =	vmax.scan.msk.u32 $0xffff, v7;
	_ =	sdelay $0x5  }
0xa8: {  	v7, _, _ =	vpop (xrf0)  }
0xa9: {  	(v2sf) =	vpush v7, $0xF;
	_ =	sdelay $0xe  }
0xaa: {  	s24 =	sadd.s32 s22, s24;
	s30 =	spop (v2sf)  }
0xab: {  	[tilespmem:s19+$0x800] =	vst.msk vm0, v6;
	v7 =	vor.u32 s24, v2;
	s31 =	sadd.s32 s30, s19  }
0xac: {  	[tilespmem:s19+$0x1080] =	vst.msk vm0, v7;
	s19 =	sadd.s32 $0x80000000, s31  }
0xad: {  	p3 =	slt.s32 s19, $0x800  }
.Ltmp15:
0xae: {  	_ = 	snop;
	(pc) =	sbr.rel @p3 .LBB2_29-.Ltmp15, $1  }
0xaf: {  	_ =	sdelay $0x3  }
0xb0: {  	v6 =	vmov s19  }
0xb1: {  	vm0 =	vlt.s32 v6, v3;
	_ =	sdelay $0x5  }
0xb2: {  	[tilespmem:v4+s13+$0x0] =	vst.idx.msk vm0, v5  }
0xb3: {  	[hbm4b:s7+s14] =	stream.indirect.scatter [tilespmem:s15], [sflag:$0x1], $0x1, s13, s14, $0xb8;
	[tilespmem:$0x6180] =	vst v63  }
0xb4: {  	_ =	swait.ge [sflag:s12], $0x810  }
0xb5: {  	[sflag:s12] =	ssyncset.done $0x0  }
0xb6: {  	[sflag:s12] =	ssyncadd.s32 $0xFFFFF7F0  }
0xb7: {  	v6 =	vld [tilespmem:$0x1000]  }
0xb8: {  	v7 =	vld [tilespmem:$0x1880];
	_ =	sdelay $0x3  }
0xb9: {  	[tilespmem:$0x800] =	vst v6  }
0xba: {  	[tilespmem:$0x1080] =	vst v7  }
0xbb: {  	[tilespmem:s16], [sflag:$0x1] =	stream.indirect.gather [hbm4b:s7+s14], $0x1, s13, s14, $0xb8;
	[tilespmem:$0x6180] =	vst v63  }
0xbc: {  	_ =	swait.ge [sflag:s12], $0x810  }
0xbd: {  	[sflag:s12] =	ssyncset.done $0x0  }
0xbe: {  	s24 =	simm.s32 $0x0;
	[sflag:s12] =	ssyncadd.s32 $0xFFFFF7F0  }
0xbf: {  	v6 =	vld [tilespmem:s24+$0x1080]  }
0xc0: {  	v7 =	vld [tilespmem:s24+$0x5900]  }
0xc1: {  	v8 =	vld [tilespmem:s24+$0x800];
	_ =	sdelay $0x3  }
0xc2: {  	s25 =	simm.s32 $0x10;
	vm15 =	vlt.s32 v7, v6  }
0xc3: {  	s26 =	simm.s32 $0x80;
	v6 =	vld [tilespmem:s25+$0x1080];
	v7 =	vnsel vm15, $0x6C0001, v8  }
.LBB2_25:
0xc4: {  	p3 =	sne.s32 s26, $0x2000;
	v8 =	vld [tilespmem:s25+$0x5900];
	[tilespmem:s24+$0x800] =	vst v7;
	s24 =	smov.u32 s25  }
0xc5: {  	v7 =	vld [tilespmem:s24+$0x800]  }
.Ltmp16:
0xc6: {  	(pc) =	sbr.rel @p3 .LBB2_25-.Ltmp16, $3  }
0xc7: {  	_ =	sdelay $0x1  }
0xc8: {  	s25 =	sshra.s32 s26, $0x2;
	vm0 =	vlt.s32 v8, v6  }
0xc9: {  	s26 =	sadd.s32 $0x40, s26;
	v6 =	vld [tilespmem:s25+$0x1080];
	v7 =	vnsel vm0, $0x6C0001, v7  }
0xca: {  	v8 =	vld [tilespmem:s25+$0x5900];
	[tilespmem:s24+$0x800] =	vst v7  }
0xcb: {  	v7 =	vld [tilespmem:s25+$0x800];
	_ =	sdelay $0x3  }
0xcc: {  	vm0 =	vlt.s32 v8, v6  }
0xcd: {  	v6 =	vnsel vm0, $0x6C0001, v7  }
0xce: {  	[tilespmem:s25+$0x800] =	vst v6  }
0xcf: {  	[hbm4b:s7+s14] =	stream.indirect.scatter [tilespmem:s15], [sflag:$0x1], $0x1, s13, s14, $0xb8;
	[tilespmem:$0x6180] =	vst v63  }
0xd0: {  	_ =	swait.ge [sflag:s12], $0x810  }
0xd1: {  	[sflag:s12] =	ssyncset.done $0x0  }
0xd2: {  	[sflag:s12] =	ssyncadd.s32 $0xFFFFF7F0  }
0xd3: {  	[tilespmem:s16], [sflag:$0x1] =	stream.indirect.gather [hbm4b:s7+s14], $0x1, s13, s14, $0xb8;
	[tilespmem:$0x6180] =	vst v63  }
0xd4: {  	_ =	swait.ge [sflag:s12], $0x810  }
0xd5: {  	[sflag:s12] =	ssyncset.done $0x0  }
0xd6: {  	s24 =	simm.s32 $0x0;
	[sflag:s12] =	ssyncadd.s32 $0xFFFFF7F0  }
0xd7: {  	v6 =	vld [tilespmem:s24+$0x1080]  }
0xd8: {  	v7 =	vld [tilespmem:s24+$0x5900]  }
0xd9: {  	v8 =	vld [tilespmem:s24+$0x800];
	_ =	sdelay $0x3  }
0xda: {  	s25 =	simm.s32 $0x10;
	vm15 =	vlt.s32 v7, v6  }
0xdb: {  	s26 =	simm.s32 $0x80;
	v6 =	vld [tilespmem:s25+$0x1080];
	v7 =	vnsel vm15, $0x6C0001, v8  }
.LBB2_27:
0xdc: {  	p3 =	sne.s32 s26, $0x2000;
	v8 =	vld [tilespmem:s25+$0x5900];
	[tilespmem:s24+$0x800] =	vst v7;
	s24 =	smov.u32 s25  }
0xdd: {  	v7 =	vld [tilespmem:s24+$0x800]  }
.Ltmp17:
0xde: {  	(pc) =	sbr.rel @p3 .LBB2_27-.Ltmp17, $3  }
0xdf: {  	_ =	sdelay $0x1  }
0xe0: {  	s25 =	sshra.s32 s26, $0x2;
	vm0 =	vlt.s32 v8, v6  }
0xe1: {  	s26 =	sadd.s32 $0x40, s26;
	v6 =	vld [tilespmem:s25+$0x1080];
	v7 =	vnsel vm0, $0x6C0001, v7  }
.Ltmp18:
0xe2: {  	_ = 	snop;
	(pc) =	sbr.rel .LBB2_28-.Ltmp18, $1  }
0xe3: {  	_ =	sdelay $0x3  }
.LBB2_11:
0xe4: {  	p3 =	sgt.s32 s19, $0x80F  }
.Ltmp19:
0xe5: {  	_ = 	snop;
	(pc) =	sbr.rel @p3 .LBB2_14-.Ltmp19, $1  }
0xe6: {  	_ =	sdelay $0x3  }
0xe7: {  	s19 =	sadd.s32 $0xFFFFFFF0, s19  }
.LBB2_13:
0xe8: {  	s19 =	sadd.s32 $0x10, s19  }
0xe9: {  	p3 =	slt.s32 s19, $0x800  }
.Ltmp20:
0xea: {  	_ = 	snop;
	(pc) =	sbr.rel @p3 .LBB2_13-.Ltmp20, $4  }
0xeb: {  	_ = 	snop  }
0xec: {  	s20 =	smov.u32 s19  }
0xed: {  	s20 =	simm.s32 @!p3 $0x800  }
0xee: {  	[tilespmem:s20+$0x800] =	vst v5  }
.LBB2_14:
0xef: {  	[hbm4b:s6+s14] =	stream.indirect.scatter [tilespmem:s15], [sflag:$0x1], $0x1, s13, s14, $0xb8;
	[tilespmem:$0x6180] =	vst v63  }
0xf0: {  	_ =	swait.ge [sflag:s12], $0x810  }
0xf1: {  	[sflag:s12] =	ssyncset.done $0x0  }
0xf2: {  	[sflag:s12] =	ssyncadd.s32 $0xFFFFF7F0  }
0xf3: {  	[tilespmem:s16], [sflag:$0x1] =	stream.indirect.gather [hbm4b:s6+s14], $0x1, s13, s14, $0xb8;
	[tilespmem:$0x6180] =	vst v63  }
0xf4: {  	_ =	swait.ge [sflag:s12], $0x810  }
0xf5: {  	[sflag:s12] =	ssyncset.done $0x0  }
0xf6: {  	s19 =	simm.s32 $0x0;
	[sflag:s12] =	ssyncadd.s32 $0xFFFFF7F0  }
0xf7: {  	v6 =	vld [tilespmem:s19+$0x1080]  }
0xf8: {  	v7 =	vld [tilespmem:s19+$0x5900]  }
0xf9: {  	v8 =	vld [tilespmem:s19+$0x800];
	_ =	sdelay $0x3  }
0xfa: {  	s20 =	simm.s32 $0x10;
	vm0 =	vlt.s32 v7, v6  }
0xfb: {  	s21 =	simm.s32 $0x80;
	v6 =	vld [tilespmem:s20+$0x1080];
	v7 =	vnsel vm0, $0x6C0001, v8  }
.LBB2_15:
0xfc: {  	p3 =	sne.s32 s21, $0x2000;
	v8 =	vld [tilespmem:s20+$0x5900];
	[tilespmem:s19+$0x800] =	vst v7;
	s19 =	smov.u32 s20  }
0xfd: {  	v7 =	vld [tilespmem:s19+$0x800]  }
.Ltmp21:
0xfe: {  	(pc) =	sbr.rel @p3 .LBB2_15-.Ltmp21, $3  }
0xff: {  	_ =	sdelay $0x1  }
0x100: {  	s20 =	sshra.s32 s21, $0x2;
	vm0 =	vlt.s32 v8, v6  }
0x101: {  	s21 =	sadd.s32 $0x40, s21;
	v6 =	vld [tilespmem:s20+$0x1080];
	v7 =	vnsel vm0, $0x6C0001, v7  }
0x102: {  	v8 =	vld [tilespmem:s20+$0x5900];
	[tilespmem:s19+$0x800] =	vst v7  }
0x103: {  	v7 =	vld [tilespmem:s20+$0x800];
	_ =	sdelay $0x3  }
0x104: {  	vm0 =	vlt.s32 v8, v6  }
0x105: {  	v6 =	vnsel vm0, $0x6C0001, v7  }
0x106: {  	[tilespmem:s20+$0x800] =	vst v6  }
0x107: {  	[hbm4b:s6+s14] =	stream.indirect.scatter [tilespmem:s15], [sflag:$0x1], $0x1, s13, s14, $0xb8;
	[tilespmem:$0x6180] =	vst v63  }
0x108: {  	_ =	swait.ge [sflag:s12], $0x810  }
0x109: {  	[sflag:s12] =	ssyncset.done $0x0  }
0x10a: {  	[sflag:s12] =	ssyncadd.s32 $0xFFFFF7F0  }
0x10b: {  	[tilespmem:s16], [sflag:$0x1] =	stream.indirect.gather [hbm4b:s6+s14], $0x1, s13, s14, $0xb8;
	[tilespmem:$0x6180] =	vst v63  }
0x10c: {  	_ =	swait.ge [sflag:s12], $0x810  }
0x10d: {  	[sflag:s12] =	ssyncset.done $0x0  }
0x10e: {  	s19 =	simm.s32 $0x0;
	[sflag:s12] =	ssyncadd.s32 $0xFFFFF7F0  }
0x10f: {  	v6 =	vld [tilespmem:s19+$0x1080]  }
0x110: {  	v7 =	vld [tilespmem:s19+$0x5900]  }
0x111: {  	v8 =	vld [tilespmem:s19+$0x800];
	_ =	sdelay $0x3  }
0x112: {  	s20 =	simm.s32 $0x10;
	vm15 =	vlt.s32 v7, v6  }
0x113: {  	s21 =	simm.s32 $0x80;
	v6 =	vld [tilespmem:s20+$0x1080];
	v7 =	vnsel vm15, $0x6C0001, v8  }
.LBB2_17:
0x114: {  	p3 =	sne.s32 s21, $0x2000;
	v8 =	vld [tilespmem:s20+$0x5900];
	[tilespmem:s19+$0x800] =	vst v7;
	s19 =	smov.u32 s20  }
0x115: {  	v7 =	vld [tilespmem:s19+$0x800]  }
.Ltmp22:
0x116: {  	(pc) =	sbr.rel @p3 .LBB2_17-.Ltmp22, $3  }
0x117: {  	_ =	sdelay $0x1  }
0x118: {  	s20 =	sshra.s32 s21, $0x2;
	vm0 =	vlt.s32 v8, v6  }
0x119: {  	s21 =	sadd.s32 $0x40, s21;
	v6 =	vld [tilespmem:s20+$0x1080];
	v7 =	vnsel vm0, $0x6C0001, v7  }
0x11a: {  	v8 =	vld [tilespmem:s20+$0x5900];
	[tilespmem:s19+$0x800] =	vst v7  }
0x11b: {  	v7 =	vld [tilespmem:s20+$0x800];
	_ =	sdelay $0x3  }
0x11c: {  	vm0 =	vlt.s32 v8, v6  }
0x11d: {  	v6 =	vnsel vm0, $0x6C0001, v7  }
0x11e: {  	[tilespmem:s20+$0x800] =	vst v6  }
0x11f: {  	[hbm4b:s6+s14] =	stream.indirect.scatter [tilespmem:s15], [sflag:$0x1], $0x1, s13, s14, $0xb8;
	[tilespmem:$0x6180] =	vst v63  }
0x120: {  	_ =	swait.ge [sflag:s12], $0x810  }
0x121: {  	s19 =	simm.s32 @!p1 $0x0;
	[sflag:s12] =	ssyncset.done $0x0  }
0x122: {  	s21 =	simm.s32 @!p1 $0x1;
	s20 =	simm.s32 @!p1 $0x1900;
	[sflag:s12] =	ssyncadd.s32 $0xFFFFF7F0  }
0x123: {  	[tilespmem:s20], [sflag:$0x1] =	stream.linear.gather @!p1 [hbm4b:s5+s19], $0x8, $0x38;
	[tilespmem:$0x6180] =	vst v63  }
0x124: {  	_ =	swait.ge @!p1 [sflag:s21], $0x8  }
0x125: {  	[sflag:s21] =	ssyncset.done @!p1 $0x0  }
.Ltmp23:
0x126: {  	[sflag:s21] =	ssyncadd.s32 @!p1 $0xFFFFFFF8;
	(pc) =	sbr.rel .LBB2_39-.Ltmp23, $4  }
0x127: {  	[hbm4b:s9+s19] =	stream.linear.scatter @!p1 [tilespmem:s20], [sflag:$0x1], $0x8, $0x38;
	[tilespmem:$0x6180] =	vst v63  }
0x128: {  	_ =	swait.ge @!p1 [sflag:s21], $0x8  }
0x129: {  	[sflag:s21] =	ssyncset.done @!p1 $0x0  }
0x12a: {  	[sflag:s21] =	ssyncadd.s32 @!p1 $0xFFFFFFF8  }
.LBB2_31:
0x12b: {  	p3 =	sgt.s32 s19, $0x80F  }
.Ltmp24:
0x12c: {  	_ = 	snop;
	(pc) =	sbr.rel @p3 .LBB2_34-.Ltmp24, $1  }
0x12d: {  	_ =	sdelay $0x3  }
0x12e: {  	s19 =	sadd.s32 $0xFFFFFFF0, s19  }
.LBB2_33:
0x12f: {  	s19 =	sadd.s32 $0x10, s19  }
0x130: {  	p3 =	slt.s32 s19, $0x800  }
.Ltmp25:
0x131: {  	_ = 	snop;
	(pc) =	sbr.rel @p3 .LBB2_33-.Ltmp25, $4  }
0x132: {  	_ = 	snop  }
0x133: {  	s20 =	smov.u32 s19  }
0x134: {  	s20 =	simm.s32 @!p3 $0x800  }
0x135: {  	[tilespmem:s20+$0x800] =	vst v5  }
.LBB2_34:
0x136: {  	[hbm4b:s7+s14] =	stream.indirect.scatter [tilespmem:s15], [sflag:$0x1], $0x1, s13, s14, $0xb8;
	[tilespmem:$0x6180] =	vst v63  }
0x137: {  	_ =	swait.ge [sflag:s12], $0x810  }
0x138: {  	[sflag:s12] =	ssyncset.done $0x0  }
0x139: {  	[sflag:s12] =	ssyncadd.s32 $0xFFFFF7F0  }
0x13a: {  	[tilespmem:s16], [sflag:$0x1] =	stream.indirect.gather [hbm4b:s7+s14], $0x1, s13, s14, $0xb8;
	[tilespmem:$0x6180] =	vst v63  }
0x13b: {  	_ =	swait.ge [sflag:s12], $0x810  }
0x13c: {  	[sflag:s12] =	ssyncset.done $0x0  }
0x13d: {  	s19 =	simm.s32 $0x0;
	[sflag:s12] =	ssyncadd.s32 $0xFFFFF7F0  }
0x13e: {  	v6 =	vld [tilespmem:s19+$0x1080]  }
0x13f: {  	v7 =	vld [tilespmem:s19+$0x5900]  }
0x140: {  	v8 =	vld [tilespmem:s19+$0x800];
	_ =	sdelay $0x3  }
0x141: {  	s20 =	simm.s32 $0x10;
	vm0 =	vlt.s32 v7, v6  }
0x142: {  	s21 =	simm.s32 $0x80;
	v6 =	vld [tilespmem:s20+$0x1080];
	v7 =	vnsel vm0, $0x6C0001, v8  }
.LBB2_35:
0x143: {  	p3 =	sne.s32 s21, $0x2000;
	v8 =	vld [tilespmem:s20+$0x5900];
	[tilespmem:s19+$0x800] =	vst v7;
	s19 =	smov.u32 s20  }
0x144: {  	v7 =	vld [tilespmem:s19+$0x800]  }
.Ltmp26:
0x145: {  	(pc) =	sbr.rel @p3 .LBB2_35-.Ltmp26, $3  }
0x146: {  	_ =	sdelay $0x1  }
0x147: {  	s20 =	sshra.s32 s21, $0x2;
	vm0 =	vlt.s32 v8, v6  }
0x148: {  	s21 =	sadd.s32 $0x40, s21;
	v6 =	vld [tilespmem:s20+$0x1080];
	v7 =	vnsel vm0, $0x6C0001, v7  }
0x149: {  	v8 =	vld [tilespmem:s20+$0x5900];
	[tilespmem:s19+$0x800] =	vst v7  }
0x14a: {  	v7 =	vld [tilespmem:s20+$0x800];
	_ =	sdelay $0x3  }
0x14b: {  	vm0 =	vlt.s32 v8, v6  }
0x14c: {  	v6 =	vnsel vm0, $0x6C0001, v7  }
0x14d: {  	[tilespmem:s20+$0x800] =	vst v6  }
0x14e: {  	[hbm4b:s7+s14] =	stream.indirect.scatter [tilespmem:s15], [sflag:$0x1], $0x1, s13, s14, $0xb8;
	[tilespmem:$0x6180] =	vst v63  }
0x14f: {  	_ =	swait.ge [sflag:s12], $0x810  }
0x150: {  	[sflag:s12] =	ssyncset.done $0x0  }
0x151: {  	[sflag:s12] =	ssyncadd.s32 $0xFFFFF7F0  }
0x152: {  	[tilespmem:s16], [sflag:$0x1] =	stream.indirect.gather [hbm4b:s7+s14], $0x1, s13, s14, $0xb8;
	[tilespmem:$0x6180] =	vst v63  }
0x153: {  	_ =	swait.ge [sflag:s12], $0x810  }
0x154: {  	[sflag:s12] =	ssyncset.done $0x0  }
0x155: {  	s19 =	simm.s32 $0x0;
	[sflag:s12] =	ssyncadd.s32 $0xFFFFF7F0  }
0x156: {  	v6 =	vld [tilespmem:s19+$0x1080]  }
0x157: {  	v7 =	vld [tilespmem:s19+$0x5900]  }
0x158: {  	v8 =	vld [tilespmem:s19+$0x800];
	_ =	sdelay $0x3  }
0x159: {  	s20 =	simm.s32 $0x10;
	vm15 =	vlt.s32 v7, v6  }
0x15a: {  	s21 =	simm.s32 $0x80;
	v6 =	vld [tilespmem:s20+$0x1080];
	v7 =	vnsel vm15, $0x6C0001, v8  }
.LBB2_37:
0x15b: {  	p3 =	sne.s32 s21, $0x2000;
	v8 =	vld [tilespmem:s20+$0x5900];
	[tilespmem:s19+$0x800] =	vst v7;
	s19 =	smov.u32 s20  }
0x15c: {  	v7 =	vld [tilespmem:s19+$0x800]  }
.Ltmp27:
0x15d: {  	(pc) =	sbr.rel @p3 .LBB2_37-.Ltmp27, $3  }
0x15e: {  	_ =	sdelay $0x1  }
0x15f: {  	s20 =	sshra.s32 s21, $0x2;
	vm0 =	vlt.s32 v8, v6  }
0x160: {  	s21 =	sadd.s32 $0x40, s21;
	v6 =	vld [tilespmem:s20+$0x1080];
	v7 =	vnsel vm0, $0x6C0001, v7  }
0x161: {  	v8 =	vld [tilespmem:s20+$0x5900];
	[tilespmem:s19+$0x800] =	vst v7  }
0x162: {  	v7 =	vld [tilespmem:s20+$0x800];
	_ =	sdelay $0x3  }
0x163: {  	vm0 =	vlt.s32 v8, v6  }
0x164: {  	v6 =	vnsel vm0, $0x6C0001, v7  }
.Ltmp28:
0x165: {  	[tilespmem:s20+$0x800] =	vst v6;
	(pc) =	sbr.rel .LBB2_39-.Ltmp28, $4  }
0x166: {  	[hbm4b:s7+s14] =	stream.indirect.scatter [tilespmem:s15], [sflag:$0x1], $0x1, s13, s14, $0xb8;
	[tilespmem:$0x6180] =	vst v63  }
0x167: {  	_ =	swait.ge [sflag:s12], $0x810  }
0x168: {  	[sflag:s12] =	ssyncset.done $0x0  }
0x169: {  	[sflag:s12] =	ssyncadd.s32 $0xFFFFF7F0  }
.LBB2_40:
0x16a: {  	_ =	sfence.sel $0x180000  }
0x16b: {  	[bflag:$0x0] =	sbarrier.arrive $0xFFFF  }
0x16c: {  	p0 =	sne.s32 s3, $0x0;
	_ =	strace $0x90000047  }
0x16d: {  	s0 =	sadd.s32 @!p0 $0x100000, s0;
	[bflag:$0x2] =	sbarrier.arrive $0xFFFF  }
0x16e: {  	[sflag:s0] =	ssyncadd.tile.s32 @!p0 $0x1;
	_ =	shalt  }
.Lfunc_end2:
_tile_overlayer_lowered:
.L_overlay_start_2:
0x16f: {  	(tag) =	ssettag $0x2  }
0x170: {  	s0 =	rddreg [dreg:$0x0];
	s2 =	stileid.u32  }
0x171: {  	s1 =	rddreg [dreg:$0x1];
	p0 =	sne.s32 s2, $0x0  }
0x172: {  	s3 =	rddreg [dreg:$0x2];
	[bflag:$0x3] =	sbarrier.arrive $0xFFFF;
	s2 =	simm.s32 @!p0 $0x1C01  }
0x173: {  	[timem:s3], [sflag:s2] =	dma.local @!p0 [hbm:s0], s1  }
0x174: {  	s0 =	simm.s32 @!p0 $0x1  }
0x175: {  	_ =	swait.ge @!p0 [sflag:s0], s1  }
0x176: {  	s1 =	ssub.s32 @!p0 $0x0, s1;
	[sflag:s0] =	ssyncset.done @!p0 $0x0  }
0x177: {  	[sflag:s0] =	ssyncadd.s32 @!p0 s1  }
0x178: {  	[bflag:$0x3] =	sbarrier.arrive $0xFFFF  }
0x179: {  	_ =	shalt  }

// kernel: kernel.7.cloned.1.call-start
scs
__scs_entry_jumppad:
0x0: {  	(pc) =	sbr.rel $0x88, $3  }
0x1: {  	(tag) =	ssettag $0x0;
	lr =	simm.s32 $0x1  }
0x2: {  	[smem:$0x3F9C] =	sst lr;
	_ =	strace $0xD0000000  }
0x3: {  	_ = 	snop  }
0x4: {  	_ = 	snop  }
0x5: {  	_ = 	snop  }
0x6: {  	_ = 	snop  }
0x7: {  	_ = 	snop  }
__scs_overlays_trampoline_lowered:
0x8: {  	[smem:$0x3FAB] =	sst s0  }
0x9: {  	[smem:$0x3FAC] =	sst s1  }
0xa: {  	[smem:$0x3FAD] =	sst s2  }
0xb: {  	[smem:$0x3FAE] =	sst s3  }
0xc: {  	[smem:$0x3FAF] =	sst s4  }
0xd: {  	[smem:$0x3FB0] =	sst s5  }
0xe: {  	[smem:$0x3FB1] =	sst s6  }
0xf: {  	[smem:$0x3FB2] =	sst s7  }
0x10: {  	[smem:$0x3FB3] =	sst s8  }
0x11: {  	[smem:$0x3FB4] =	sst s9;
	s0 =	simm.s32 @!p0 $0x0  }
0x12: {  	s1 =	sld [smem:$0x3F9A];
	s0 =	simm.s32 @p0 $0x1  }
0x13: {  	[smem:$0x3FB5] =	sst s0;
	s0 =	simm.s32 @!p1 $0x0  }
0x14: {  	s2 =	sld [smem:$0x3F99];
	s0 =	simm.s32 @p1 $0x1  }
0x15: {  	[smem:$0x3FB6] =	sst s0;
	s0 =	simm.s32 @!p2 $0x0  }
0x16: {  	s3 =	sld [smem:$0x3FDB];
	s0 =	simm.s32 @p2 $0x1  }
0x17: {  	s4 =	simm.s32 $0x1BF5;
	[smem:$0x3FB8] =	sst s0  }
0x18: {  	s0 =	sld [smem:$0x3F9B];
	_ =	swait.ge [sflag:s4], $0x0  }
0x19: {  	s7 =	sld [smem:$0x3F9C]  }
0x1a: {  	s8 =	sadd.s32 $0xFFFFE003, lr  }
0x1b: {  	s9 =	sadd.s32 $0xFFFFFEF7, lr;
	s5 =	simm.s32 $0xFFFFFFFF;
	p2 =	slt.u32 s8, $0xFFFFF086  }
0x1c: {  	p1 =	slt.u32 s9, $0xF7A;
	s5 =	simm.s32 @!p2 $0x0  }
0x1d: {  	s5 =	simm.s32 @p1 $0x1;
	p0 =	seq.s32 s7, s2  }
0x1e: {  	s7 =	smul.u32 @!p0 $0xF7A, s2;
	p2 =	seq.s32 @!p0 s5, $0x0  }
0x1f: {  	s9 =	smul.u32 $0xF7A, s1;
	s8 =	simm.s32 @!p0 $0x1BF5;
	p2 =	por !p2, p0  }
0x20: {  	[sflag:s8] =	ssyncset.s32 @!p0 $0xFFFFF086;
	s6 =	sadd.s32 @!p0 s3, s7;
	s7 =	simm.s32 @!p0 $0x108  }
0x21: {  	s3 =	sadd.s32 s3, s9;
	s6 =	sadd.s32 @!p0 $0x88, s6;
	s7 =	simm.s32 @p2 $0x1082  }
0x22: {  	[simem:s7], [sflag:s8] =	dma.local @!p0 [hbm:s6], $0xF7A  }
0x23: {  	s9 =	sor.u32 $0xD0000000, s2;
	s6 =	simm.s32 $0x108;
	_ =	swait.ge @!p0 [sflag:s8], $0x0  }
0x24: {  	s3 =	sadd.s32 $0x88, s3;
	s6 =	simm.s32 @!p1 $0x1082;
	[sflag:s4] =	ssyncset.s32 $0xFFFFF086  }
0x25: {  	[simem:s6], [sflag:s4] =	dma.local [hbm:s3], $0xF7A  }
0x26: {  	[smem:$0x3F9C] =	sst s1;
	(tag) =	ssettag s2;
	_ =	strace s9  }
0x27: {  	s1 =	sld [smem:$0x3FAC]  }
0x28: {  	s2 =	sld [smem:$0x3FAD]  }
0x29: {  	s4 =	sld [smem:$0x3FAF]  }
0x2a: {  	p0 =	seq.s32 s5, $0x0;
	s5 =	sld [smem:$0x3FB0]  }
0x2b: {  	s6 =	sld [smem:$0x3FB1]  }
0x2c: {  	s7 =	sld [smem:$0x3FB2]  }
0x2d: {  	s3 =	simm.s32 $0x108;
	s8 =	sld [smem:$0x3FB3]  }
0x2e: {  	s3 =	simm.s32 @!p0 $0x1082;
	s9 =	sld [smem:$0x3FB4]  }
0x2f: {  	lr =	sadd.s32 s0, s3;
	s0 =	sld [smem:$0x3FAB]  }
0x30: {  	s3 =	sld [smem:$0x3FAE]  }
0x31: {  	[smem:$0x3FB7] =	sst s10  }
0x32: {  	s10 =	sld [smem:$0x3FB5];
	_ =	sdelay $0x3  }
0x33: {  	p0 =	seq.s32 s10, $0x1;
	s10 =	sld [smem:$0x3FB7];
	_ =	sdelay $0x3  }
0x34: {  	[smem:$0x3FB7] =	sst s10  }
0x35: {  	s10 =	sld [smem:$0x3FB6];
	_ =	sdelay $0x3  }
0x36: {  	p1 =	seq.s32 s10, $0x1;
	s10 =	sld [smem:$0x3FB7];
	_ =	sdelay $0x3  }
0x37: {  	[smem:$0x3FB7] =	sst s10  }
0x38: {  	s10 =	sld [smem:$0x3FB8]  }
0x39: {  	_ = 	snop;
	(pc) =	sbr.ind lr, $3  }
0x3a: {  	_ = 	snop  }
0x3b: {  	_ = 	snop  }
0x3c: {  	p2 =	seq.s32 s10, $0x1;
	s10 =	sld [smem:$0x3FB7]  }
0x3d: {  	_ =	shalt  }
0x3e: {  	_ =	shalt  }
0x3f: {  	_ =	shalt  }
0x40: {  	_ =	shalt  }
0x41: {  	_ =	shalt  }
0x42: {  	_ =	shalt  }
0x43: {  	_ =	shalt  }
0x44: {  	_ =	shalt  }
0x45: {  	_ =	shalt  }
0x46: {  	_ =	shalt  }
0x47: {  	_ =	shalt  }
0x48: {  	_ =	shalt  }
0x49: {  	_ =	shalt  }
0x4a: {  	_ =	shalt  }
0x4b: {  	_ =	shalt  }
0x4c: {  	_ =	shalt  }
0x4d: {  	_ =	shalt  }
0x4e: {  	_ =	shalt  }
0x4f: {  	_ =	shalt  }
0x50: {  	_ =	shalt  }
0x51: {  	_ =	shalt  }
0x52: {  	_ =	shalt  }
0x53: {  	_ =	shalt  }
0x54: {  	_ =	shalt  }
0x55: {  	_ =	shalt  }
0x56: {  	_ =	shalt  }
0x57: {  	_ =	shalt  }
0x58: {  	_ =	shalt  }
0x59: {  	_ =	shalt  }
0x5a: {  	_ =	shalt  }
0x5b: {  	_ =	shalt  }
0x5c: {  	_ =	shalt  }
0x5d: {  	_ =	shalt  }
0x5e: {  	_ =	shalt  }
0x5f: {  	_ =	shalt  }
0x60: {  	_ =	shalt  }
0x61: {  	_ =	shalt  }
0x62: {  	_ =	shalt  }
0x63: {  	_ =	shalt  }
0x64: {  	_ =	shalt  }
0x65: {  	_ =	shalt  }
0x66: {  	_ =	shalt  }
0x67: {  	_ =	shalt  }
0x68: {  	_ =	shalt  }
0x69: {  	_ =	shalt  }
0x6a: {  	_ =	shalt  }
0x6b: {  	_ =	shalt  }
0x6c: {  	_ =	shalt  }
0x6d: {  	_ =	shalt  }
0x6e: {  	_ =	shalt  }
0x6f: {  	_ =	shalt  }
0x70: {  	_ =	shalt  }
0x71: {  	_ =	shalt  }
0x72: {  	_ =	shalt  }
0x73: {  	_ =	shalt  }
0x74: {  	_ =	shalt  }
0x75: {  	_ =	shalt  }
0x76: {  	_ =	shalt  }
0x77: {  	_ =	shalt  }
0x78: {  	_ =	shalt  }
0x79: {  	_ =	shalt  }
0x7a: {  	_ =	shalt  }
0x7b: {  	_ =	shalt  }
0x7c: {  	_ =	shalt  }
0x7d: {  	_ =	shalt  }
0x7e: {  	_ =	shalt  }
0x7f: {  	_ =	shalt  }
0x80: {  	_ =	shalt  }
0x81: {  	_ =	shalt  }
0x82: {  	_ =	shalt  }
0x83: {  	_ =	shalt  }
0x84: {  	_ =	shalt  }
0x85: {  	_ =	shalt  }
0x86: {  	_ =	shalt  }
0x87: {  	_ =	shalt  }
.Lfunc_end0:
.L_simem_size_0:
called_computation.1_lowered:
.L_overlay_start_0:
0x88: {  	s2 =	sld [smem:$0x3FD9]  }
0x89: {  	s3 =	sld [smem:$0x3FFE];
	_ =	sdelay $0x1  }
0x8a: {  	s1 =	srdreg.scid  }
0x8b: {  	s0 =	sand.u32 $0x1, s1  }
0x8c: {  	s17 =	sshll.u32 s0, $0xA;
	s2 =	sadd.s32 s3, s2  }
0x8d: {  	s2 =	sadd.s32 s2, s17  }
0x8e: {  	[smem:$0x3FC3] =	sst s2  }
0x8f: {  	_ = 	snop  }
0x90: {  	s2 =	sld [smem:$0x3FD0];
	(tm) =	ssettm $0x1  }
0x91: {  	s18 =	sld [smem:$0x3FFB];
	_ =	sdelay $0x3  }
0x92: {  	_ =	strace s18  }
0x93: {  	s3 =	sld [smem:$0x3FFC];
	_ =	sdelay $0x3  }
0x94: {  	_ =	strace s3  }
0x95: {  	s3 =	sld [smem:$0x3FFD];
	_ =	sdelay $0x3  }
0x96: {  	_ =	strace s3  }
0x97: {  	_ =	strace $0x8FFFFFFF  }
0x98: {  	s19 =	sld [smem:$0x3FDB];
	_ =	sdelay $0x1  }
0x99: {  	s4 =	simm.s32 $_scs_section_size  }
0x9a: {  	s5 =	simm.s32 $_size__tile_overlayer_lowered;
	s6 =	simm.s32 $_tile_overlayer_lowered  }
0x9b: {  	s22 =	simm.s32 $0x1BFF;
	s21 =	sshll.u32 s6, $0x1;
	s3 =	sadd.s32 s4, s19  }
0x9c: {  	s7 =	simm.s32 $0x0;
	s20 =	sshll.u32 s5, $0x1;
	s5 =	sadd.s32 s21, s3  }
0x9d: {  	[timem:s7], [sflag:s22] =	dma.local [hbm:s5], s20  }
0x9e: {  	_ =	swait.ge [sflag:s22], s20  }
0x9f: {  	s4 =	ssub.s32 $0x0, s20;
	[sflag:s22] =	ssyncset.done $0x0  }
0xa0: {  	[sflag:s22] =	ssyncadd.s32 s4;
	_ =	sdelay $0x1  }
0xa1: {  	s23 =	simm.s32 $0x1B8B  }
0xa2: {  	_ =	swait.ge [sflag:s23], $0x1  }
0xa3: {  	[sflag:s23] =	ssyncset.done $0x0  }
0xa4: {  	s25 =	simm.s32 $0x1B8E;
	s24 =	sld [smem:$0x3FFE];
	[sflag:s23] =	ssyncadd.s32 $0xFFFFFFFF  }
0xa5: {  	s26 =	simm.s32 $execute0_lowered;
	[smem:$0x3FD2] =	sst s25  }
0xa6: {  	s5 =	sshll.u32 s26, $0x1;
	_ =	strace $0x80000049;
	[dreg:$0x1] =	wrdreg $0xFFFFFFFF  }
0xa7: {  	s28 =	simm.s32 $_size_execute0_lowered;
	s3 =	sadd.s32 s3, s5;
	[dreg:$0x0] =	wrdreg $0x0  }
0xa8: {  	s5 =	sshll.u32 s28, $0x1;
	[dreg:$0x2] =	wrdreg s3  }
0xa9: {  	[dreg:$0x3] =	wrdreg s5  }
0xaa: {  	[dreg:$0x4] =	wrdreg $0xC0  }
0xab: {  	_ =	task [dreg:s7], $0x5FFFF  }
0xac: {  	[dreg:$0x1] =	wrdreg $0xFFFFFFFF  }
0xad: {  	[dreg:$0x0] =	wrdreg $0x60  }
0xae: {  	[dreg:$0x2] =	wrdreg s24  }
0xaf: {  	[dreg:$0x3] =	wrdreg s2  }
0xb0: {  	[dreg:$0x4] =	wrdreg $0x9  }
0xb1: {  	_ =	task.clear_ibuf [dreg:s7], $0x5FFFF;
	_ =	strace $0x90000049  }
0xb2: {  	s29 =	simm.s32 $0x9;
	_ =	strace $0x8000004B  }
0xb3: {  	_ =	swait.ge [sflag:s29], $0x1  }
0xb4: {  	[sflag:s29] =	ssyncadd.s32 $0xFFFFFFFF  }
0xb5: {  	_ =	strace $0x9000004B  }
0xb6: {  	_ =	sfence  }
0xb7: {  	s30 =	sld [smem:$0x0];
	_ =	sdelay $0x2  }
0xb8: {  	s31 =	sshll.u32 s1, $0xD;
	s1 =	sshrl.u32 s1, $0x2  }
0xb9: {  	s3 =	sand.u32 $0x4000, s31;
	s1 =	sadd.s32 s1, s30  }
0xba: {  	s0 =	sor.u32 s3, s0;
	s1 =	sshll.u32 s1, $0x11  }
0xbb: {  	s0 =	sor.u32 s1, s0  }
0xbc: {  	s0 =	sadd.s32 $0x8F2B, s0  }
0xbd: {  	[sflag:s0] =	ssyncadd.remote.s32 $0x1  }
0xbe: {  	_ =	sfence.sel $0xFFFF  }
0xbf: {  	[dreg:$0x0] =	wrdreg $0xFFFFFFFF;
	(pc) =	sbr.abs _section_cstart, $3  }
0xc0: {  	[dreg:$0x1] =	wrdreg $0xFFFFFFFF  }
0xc1: {  	_ =	task.clear_ibuf [dreg:s7], $0x2FFFF;
	_ =	strace $0x9FFFFFFF  }
0xc2: {  	(tm) =	ssettm $0x7FFFFFFF  }
0xc3: {  	_ =	shalt  }
tec
execute0_lowered:
.L_overlay_start_1:
0x0: {  	(tag) =	ssettag $0x1  }
0x1: {  	s10 =	rddreg [dreg:$0x0]  }
0x2: {  	s1 =	rddreg [dreg:$0x1]  }
0x3: {  	s0 =	rddreg [dreg:$0x2]  }
0x4: {  	s2 =	simm.s32 $0x0;
	s3 =	srdreg.scid;
	s6 =	stileid.u32  }
0x5: {  	s13 =	simm.s32 $0x4;
	s14 =	simm.s32 $0x800;
	s15 =	simm.s32 $0x1000  }
0x6: {  	s16 =	simm.s32 $0x1;
	s17 =	simm.s32 $0x2;
	s18 =	simm.s32 $0x1800  }
0x7: {  	s19 =	simm.s32 $0x3800;
	s20 =	simm.s32 $0x2000;
	s21 =	simm.s32 $0x5800  }
0x8: {  	s22 =	simm.s32 $0x7800;
	s23 =	simm.s32 $0x3;
	s24 =	simm.s32 $0x0  }
.Ltmp0:
0x9: {  	[smem:$0x7FF] =	sst s2;
	s3 =	sand.u32 $0x1, s3;
	(pc) =	sbr.rel .LBB2_1-.Ltmp0, $4  }
0xa: {  	s4 =	sadd.s32 $0x1A00, s10;
	s5 =	sadd.s32 $0x11800, s10;
	s11 =	ssub.s32 $0x2, s3  }
0xb: {  	s7 =	sadd.s32 $0xE9A00, s10;
	s8 =	sadd.s32 $0x1C1C00, s10;
	s12 =	sshrl.u32 s11, $0x1  }
0xc: {  	s9 =	sadd.s32 $0x1FEE00, s10;
	s10 =	sadd.s32 $0x23C000, s10;
	s12 =	ssub.s32 s11, s12  }
0xd: {  	v0 =	vlaneseq.u32;
	_ =	strace $0x8000004A;
	s11 =	sshll.u32 s6, $0x1;
	s12 =	smax.u32 s12, $0x1  }
.LBB2_7:
0xe: {  	s24 =	sadd.s32 $0x1, s24  }
0xf: {  	p0 =	sne.s32 s24, s12  }
.Ltmp1:
0x10: {  	_ = 	snop;
	(pc) =	sbr.rel @!p0 .LBB2_8-.Ltmp1, $1  }
0x11: {  	_ =	sdelay $0x3  }
.LBB2_1:
.Ltmp2:
0x12: {  	(pc) =	sbr.rel .LBB2_2-.Ltmp2, $2  }
0x13: {  	_ =	sdelay $0x2  }
0x14: {  	s25 =	simm.s32 $0x0  }
.LBB2_6:
0x15: {  	s25 =	sadd.s32 $0x1, s25  }
0x16: {  	p0 =	sne.s32 s25, $0x8  }
.Ltmp3:
0x17: {  	_ = 	snop;
	(pc) =	sbr.rel @!p0 .LBB2_7-.Ltmp3, $1  }
0x18: {  	_ =	sdelay $0x3  }
.LBB2_2:
0x19: {  	s26 =	sshll.u32 s25, $0x5  }
0x1a: {  	s26 =	sor.u32 s26, s11  }
0x1b: {  	s26 =	sor.u32 s3, s26  }
0x1c: {  	p0 =	sgt.u32 s26, $0xF4  }
.Ltmp4:
0x1d: {  	_ = 	snop;
	(pc) =	sbr.rel @p0 .LBB2_6-.Ltmp4, $1  }
0x1e: {  	_ =	sdelay $0x3  }
0x1f: {  	s28 =	sshll.u32 s26, $0x8  }
0x20: {  	s29 =	simm.s32 $0x0;
	s28 =	sadd.s32 s4, s28  }
0x21: {  	[tilespmem:s29], [sflag:$0x4] =	stream.linear.gather [hbm4b:s28+s29], $0x800, $0x38;
	[tilespmem:$0x9800] =	vst v63  }
0x22: {  	_ =	swait.ge [sflag:s13], $0x800  }
0x23: {  	[sflag:s13] =	ssyncset.done $0x0  }
0x24: {  	[sflag:s13] =	ssyncadd.s32 $0xFFFFF800  }
0x25: {  	[tilespmem:s14], [sflag:$0x1] =	stream.indirect.gather [hbm4b:s5+s14], $0x1, s29, s14, $0xb8;
	[tilespmem:$0x9800] =	vst v63  }
0x26: {  	_ = 	snop  }
0x27: {  	[tilespmem:s15], [sflag:$0x2] =	stream.indirect.gather [hbm4b:s7+s14], $0x1, s29, s14, $0xb8;
	[tilespmem:$0x9800] =	vst v63  }
0x28: {  	_ =	swait.ge [sflag:s16], $0x800  }
0x29: {  	v1 =	vor.u32 s29, v0;
	[sflag:s16] =	ssyncset.done $0x0  }
0x2a: {  	[sflag:s16] =	ssyncadd.s32 $0xFFFFF800  }
0x2b: {  	_ =	swait.ge [sflag:s17], $0x800  }
0x2c: {  	[sflag:s17] =	ssyncset.done $0x0  }
0x2d: {  	[sflag:s17] =	ssyncadd.s32 $0xFFFFF800  }
0x2e: {  	v2 =	vld.idx.msk [tilespmem:v1+s14+$0x0], $0xffff  }
0x2f: {  	v3 =	vld.idx.msk [tilespmem:v1+s15+$0x0], $0xffff;
	v1 =	vshll.u32 v1, $0x2;
	_ =	sdelay $0x1  }
0x30: {  	v4 =	vor.u32 $0x1, v1;
	_ =	sdelay $0x1  }
0x31: {  	v5 =	vor.u32 $0x2, v1;
	v2 =	vshll.u32 v2, $0x2  }
0x32: {  	v3 =	vshll.u32 v3, $0x2;
	[tilespmem:v1+s18+$0x0] =	vst.idx.msk $0xffff, v2  }
0x33: {  	v6 =	vor.u32 $0x1, v2;
	[tilespmem:v1+s19+$0x0] =	vst.idx.msk $0xffff, v3  }
0x34: {  	v63 =	vor.u32 $0x1, v3;
	[tilespmem:v4+s18+$0x0] =	vst.idx.msk $0xffff, v6  }
0x35: {  	v1 =	vor.u32 $0x3, v1;
	[tilespmem:v4+s19+$0x0] =	vst.idx.msk $0xffff, v63;
	v4 =	vor.u32 $0x2, v2  }
0x36: {  	s31 =	simm.s32 $0x10;
	[tilespmem:v5+s18+$0x0] =	vst.idx.msk $0xffff, v4;
	v4 =	vor.u32 $0x2, v3  }
0x37: {  	[tilespmem:v5+s19+$0x0] =	vst.idx.msk $0xffff, v4;
	v4 =	vor.u32 $0x3, v2;
	v2 =	vor.u32 s31, v0;
	_ =	sdelay $0x2  }
0x38: {  	s28 =	simm.s32 $0x20;
	v3 =	vor.u32 $0x3, v3;
	[tilespmem:v1+s18+$0x0] =	vst.idx.msk $0xffff, v4  }
.LBB2_4:
0x39: {  	p0 =	sne.s32 s28, $0x7F0;
	[tilespmem:v1+s19+$0x0] =	vst.idx.msk $0xffff, v3;
	s29 =	smov.u32 s28;
	s28 =	sadd.s32 $0x10, s28  }
0x3a: {  	v1 =	vld.idx.msk [tilespmem:v2+s14+$0x0], $0xffff  }
0x3b: {  	v3 =	vld.idx.msk [tilespmem:v2+s15+$0x0], $0xffff  }
0x3c: {  	v2 =	vshll.u32 v2, $0x2;
	_ =	sdelay $0x1  }
0x3d: {  	v4 =	vor.u32 $0x1, v2;
	_ =	sdelay $0x1  }
0x3e: {  	v6 =	vor.u32 $0x2, v2;
	v5 =	vshll.u32 v1, $0x2  }
0x3f: {  	v3 =	vshll.u32 v3, $0x2;
	[tilespmem:v2+s18+$0x0] =	vst.idx.msk $0xffff, v5  }
0x40: {  	v1 =	vor.u32 $0x3, v2;
	v7 =	vor.u32 $0x1, v5;
	[tilespmem:v2+s19+$0x0] =	vst.idx.msk $0xffff, v3  }
.Ltmp5:
0x41: {  	[tilespmem:v4+s18+$0x0] =	vst.idx.msk $0xffff, v7;
	v7 =	vor.u32 $0x1, v3;
	(pc) =	sbr.rel @p0 .LBB2_4-.Ltmp5, $4  }
0x42: {  	v2 =	vor.u32 s29, v0;
	[tilespmem:v4+s19+$0x0] =	vst.idx.msk $0xffff, v7;
	v4 =	vor.u32 $0x2, v5  }
0x43: {  	[tilespmem:v6+s18+$0x0] =	vst.idx.msk $0xffff, v4;
	v4 =	vor.u32 $0x2, v3  }
0x44: {  	[tilespmem:v6+s19+$0x0] =	vst.idx.msk $0xffff, v4;
	v4 =	vor.u32 $0x3, v5  }
0x45: {  	v3 =	vor.u32 $0x3, v3;
	[tilespmem:v1+s18+$0x0] =	vst.idx.msk $0xffff, v4  }
0x46: {  	_ =	sdelay $0x3  }
0x47: {  	[tilespmem:v1+s19+$0x0] =	vst.idx.msk $0xffff, v3  }
0x48: {  	v1 =	vld.idx.msk [tilespmem:v2+s14+$0x0], $0xffff  }
0x49: {  	v3 =	vld.idx.msk [tilespmem:v2+s15+$0x0], $0xffff;
	v2 =	vshll.u32 v2, $0x2;
	_ =	sdelay $0x1  }
0x4a: {  	v4 =	vor.u32 $0x1, v2;
	_ =	sdelay $0x1  }
0x4b: {  	v5 =	vor.u32 $0x2, v2;
	v1 =	vshll.u32 v1, $0x2  }
0x4c: {  	v3 =	vshll.u32 v3, $0x2;
	[tilespmem:v2+s18+$0x0] =	vst.idx.msk $0xffff, v1  }
0x4d: {  	v6 =	vor.u32 $0x1, v1;
	[tilespmem:v2+s19+$0x0] =	vst.idx.msk $0xffff, v3;
	v2 =	vor.u32 $0x3, v2  }
0x4e: {  	v61 =	vor.u32 $0x1, v3;
	[tilespmem:v4+s18+$0x0] =	vst.idx.msk $0xffff, v6  }
0x4f: {  	v62 =	vor.u32 $0x2, v1;
	[tilespmem:v4+s19+$0x0] =	vst.idx.msk $0xffff, v61  }
0x50: {  	v63 =	vor.u32 $0x2, v3;
	[tilespmem:v5+s18+$0x0] =	vst.idx.msk $0xffff, v62  }
0x51: {  	v1 =	vor.u32 $0x3, v1;
	[tilespmem:v5+s19+$0x0] =	vst.idx.msk $0xffff, v63  }
0x52: {  	[tilespmem:v2+s18+$0x0] =	vst.idx.msk $0xffff, v1;
	v1 =	vor.u32 $0x3, v3  }
0x53: {  	[tilespmem:v2+s19+$0x0] =	vst.idx.msk $0xffff, v1  }
0x54: {  	[tilespmem:s21], [sflag:$0x1] =	stream.indirect.gather [hbm4b:s8+s20], $0x1, s18, s20, $0xb8;
	[tilespmem:$0x9800] =	vst v63  }
0x55: {  	_ = 	snop  }
0x56: {  	[tilespmem:s22], [sflag:$0x2] =	stream.indirect.gather [hbm4b:s9+s20], $0x1, s19, s20, $0xb8;
	[tilespmem:$0x9800] =	vst v63  }
0x57: {  	_ =	swait.ge [sflag:s16], $0x2000  }
0x58: {  	[sflag:s16] =	ssyncset.done $0x0  }
0x59: {  	[sflag:s16] =	ssyncadd.s32 $0xFFFFE000  }
0x5a: {  	_ =	swait.ge [sflag:s17], $0x2000  }
0x5b: {  	s26 =	sshll.u32 s26, $0xA;
	[sflag:s17] =	ssyncset.done $0x0  }
0x5c: {  	s28 =	sadd.s32 s1, s26;
	[sflag:s17] =	ssyncadd.s32 $0xFFFFE000  }
0x5d: {  	[hbm4b:s28+s2] =	stream.linear.scatter [tilespmem:s21], [sflag:$0x4], $0x2000, $0x38;
	[tilespmem:$0x9800] =	vst v63  }
0x5e: {  	_ =	swait.ge [sflag:s13], $0x2000  }
0x5f: {  	[sflag:s13] =	ssyncset.done $0x0  }
.Ltmp6:
0x60: {  	s26 =	sadd.s32 s10, s26;
	[sflag:s13] =	ssyncadd.s32 $0xFFFFE000;
	(pc) =	sbr.rel .LBB2_6-.Ltmp6, $4  }
0x61: {  	[hbm4b:s26+s2] =	stream.linear.scatter [tilespmem:s22], [sflag:$0x3], $0x2000, $0x38;
	[tilespmem:$0x9800] =	vst v63  }
0x62: {  	_ =	swait.ge [sflag:s23], $0x2000  }
0x63: {  	[sflag:s23] =	ssyncset.done $0x0  }
0x64: {  	[sflag:s23] =	ssyncadd.s32 $0xFFFFE000  }
.LBB2_8:
0x65: {  	_ =	sfence.sel $0x180000  }
0x66: {  	[bflag:$0x0] =	sbarrier.arrive $0xFFFF  }
0x67: {  	p0 =	sne.s32 s6, $0x0;
	_ =	strace $0x9000004A  }
0x68: {  	s0 =	sadd.s32 @!p0 $0x100000, s0;
	[bflag:$0x2] =	sbarrier.arrive $0xFFFF  }
0x69: {  	[sflag:s0] =	ssyncadd.tile.s32 @!p0 $0x1;
	_ =	shalt  }
.Lfunc_end2:
_tile_overlayer_lowered:
.L_overlay_start_2:
0x6a: {  	(tag) =	ssettag $0x2  }
0x6b: {  	s0 =	rddreg [dreg:$0x0];
	s2 =	stileid.u32  }
0x6c: {  	s1 =	rddreg [dreg:$0x1];
	p0 =	sne.s32 s2, $0x0  }
0x6d: {  	s3 =	rddreg [dreg:$0x2];
	[bflag:$0x3] =	sbarrier.arrive $0xFFFF;
	s2 =	simm.s32 @!p0 $0x1C03  }
0x6e: {  	[timem:s3], [sflag:s2] =	dma.local @!p0 [hbm:s0], s1  }
0x6f: {  	s0 =	simm.s32 @!p0 $0x3  }
0x70: {  	_ =	swait.ge @!p0 [sflag:s0], s1  }
0x71: {  	s1 =	ssub.s32 @!p0 $0x0, s1;
	[sflag:s0] =	ssyncset.done @!p0 $0x0  }
0x72: {  	[sflag:s0] =	ssyncadd.s32 @!p0 s1  }
0x73: {  	[bflag:$0x3] =	sbarrier.arrive $0xFFFF  }
0x74: {  	_ =	shalt  }

</sc_bundles>
